<compile_context>
chip_gen: v7x
topology: tpu7x:2x2x1
jax: 0.10.2.dev20260603
libtpu: 0.0.44.dev20260713+nightly
codegen_flags: <defaults>
</compile_context>

<pallas_src>
import functools

import jax
import jax.numpy as jnp
from jax import lax
from jax.experimental import pallas as pl
from jax.experimental.pallas import tpu as pltpu
from jax.experimental.pallas import tpu_sc as plsc

_TC_TILE = 1024
_STATS_W = 24


def _tc_stats_body(x_ref, w24_ref, b24_ref, p24_ref, wc1_ref, bc1_ref,
                   wc2_ref, bc2_ref, out_ref):
    xw = x_ref[...].astype(jnp.bfloat16)
    dn = (((1,), (1,)), ((), ()))
    h = lax.dot_general(xw, wc1_ref[...], dn,
                        preferred_element_type=jnp.float32)
    h = h + bc1_ref[...]
    h = 0.5 * h * (1.0 + lax.erf(h * 0.7071067811865476))
    c24 = lax.dot_general(h.astype(jnp.bfloat16), wc2_ref[...], dn,
                          preferred_element_type=jnp.float32)
    conf = 1.0 / (1.0 + jnp.exp(-(c24 + bc2_ref[...])))
    lg = lax.dot_general(xw, w24_ref[...], dn,
                         preferred_element_type=jnp.float32)
    lg = (lg + b24_ref[...]) * p24_ref[...]
    lane = lax.broadcasted_iota(jnp.int32, lg.shape, 1)
    out_ref[...] = lg + jnp.where(lane == 20, conf, 0.0)


def _tc_stats(x_flat, w24, b24, p24, wc1, bc1, wc2, bc2):
    n, h = x_flat.shape
    t = _TC_TILE
    grid = n // t
    return pl.pallas_call(
        _tc_stats_body,
        grid=(grid,),
        in_specs=[
            pl.BlockSpec((t, h), lambda i: (i, 0)),
            pl.BlockSpec(w24.shape, lambda i: (0, 0)),
            pl.BlockSpec(b24.shape, lambda i: (0, 0)),
            pl.BlockSpec(p24.shape, lambda i: (0, 0)),
            pl.BlockSpec(wc1.shape, lambda i: (0, 0)),
            pl.BlockSpec(bc1.shape, lambda i: (0, 0)),
            pl.BlockSpec(wc2.shape, lambda i: (0, 0)),
            pl.BlockSpec(bc2.shape, lambda i: (0, 0)),
        ],
        out_specs=pl.BlockSpec((t, _STATS_W), lambda i: (i, 0)),
        out_shape=jax.ShapeDtypeStruct((n, _STATS_W), jnp.float32),
    )(x_flat, w24, b24, p24, wc1, bc1, wc2, bc2)


def _argmax_tb(vals, idxs, best_v, best_i):
    for v, i in zip(vals, idxs):
        take = (v > best_v) | ((v == best_v) & (i < best_i))
        best_v = jnp.where(take, v, best_v)
        best_i = jnp.where(take, i, best_i)
    return best_v, best_i


def _make_sc_route(n_tokens):
    info = plsc.get_sparse_core_info()
    nw = info.num_cores * info.num_subcores
    lanes = info.num_lanes
    tpw = n_tokens // nw
    nb = tpw // lanes
    sw = _STATS_W
    ne = 16

    mesh = plsc.VectorSubcoreMesh(core_axis_name="c", subcore_axis_name="s")

    @functools.partial(
        pl.kernel, mesh=mesh,
        compiler_params=pltpu.CompilerParams(needs_layout_passes=False),
        out_type=jax.ShapeDtypeStruct((n_tokens, ne), jnp.float32),
        scratch_types=[
            pltpu.VMEM((tpw, sw), jnp.float32),
            pltpu.VMEM((tpw, ne), jnp.float32),
        ],
    )
    def _sc_route(stats_hbm, out_hbm, st_v, out_v):
        wid = lax.axis_index("s") * info.num_cores + lax.axis_index("c")
        base = wid * tpw
        pltpu.sync_copy(stats_hbm.at[pl.ds(base, tpw)], st_v)

        zero16 = jnp.zeros((lanes,), jnp.float32)
        iot = lax.iota(jnp.int32, lanes)
        quarter = jnp.full((lanes,), 0.25, jnp.float32)
        neg1 = jnp.full((lanes,), -1.0, jnp.float32)

        def batch(b, carry):
            toks = b * lanes + iot
            for k2 in range(lanes):
                out_v[b * lanes + k2] = zero16

            def col(off):
                if isinstance(off, int):
                    off = jnp.full((lanes,), off, jnp.int32)
                return plsc.load_gather(st_v, [toks, off])

            g = [col(r) for r in range(4)]
            m = jnp.maximum(jnp.maximum(g[0], g[1]), jnp.maximum(g[2], g[3]))
            eg = [jnp.exp(v - m) for v in g]
            s = eg[0] + eg[1] + eg[2] + eg[3]
            gp = [v / s for v in eg]
            gidx = [jnp.full((lanes,), r, jnp.int32) for r in range(4)]

            big_i = jnp.full((lanes,), 64, jnp.int32)
            p0, gid0 = _argmax_tb(gp, gidx, neg1, big_i)
            gp1 = [jnp.where(gidx[r] == gid0, -1.0, gp[r]) for r in range(4)]
            p1, gid1 = _argmax_tb(gp1, gidx, neg1, big_i)

            conf = col(20)
            blend = (1.0 - conf) * quarter

            cand_v, cand_i = [], []
            for pg, gid in ((p0, gid0), (p1, gid1)):
                eoff = 4 + gid * 4
                lj = [col(eoff + j) for j in range(4)]
                mm = jnp.maximum(jnp.maximum(lj[0], lj[1]),
                                 jnp.maximum(lj[2], lj[3]))
                ej = [jnp.exp(v - mm) for v in lj]
                es = ej[0] + ej[1] + ej[2] + ej[3]
                pj = [v / es * conf + blend for v in ej]
                jdx = [jnp.full((lanes,), j, jnp.int32) for j in range(4)]
                t0, i0 = _argmax_tb(pj, jdx, neg1, big_i)
                pj1 = [jnp.where(jdx[j] == i0, -1.0, pj[j]) for j in range(4)]
                t1, i1 = _argmax_tb(pj1, jdx, neg1, big_i)
                cand_v += [t0 * pg, t1 * pg]
                cand_i += [gid * 4 + i0, gid * 4 + i1]

            tot = cand_v[0] + cand_v[1] + cand_v[2] + cand_v[3] + 1e-9
            cand_v = [v / tot for v in cand_v]

            d0, j0 = _argmax_tb(cand_v, cand_i, neg1, big_i)
            cv1 = [jnp.where(cand_i[k] == j0, -1.0, cand_v[k])
                   for k in range(4)]
            d1, j1 = _argmax_tb(cv1, cand_i, neg1, big_i)

            plsc.store_scatter(out_v, [toks, j0], d0)
            plsc.store_scatter(out_v, [toks, j1], d1)
            return carry

        lax.fori_loop(0, nb, batch, 0)
        pltpu.sync_copy(out_v, out_hbm.at[pl.ds(base, tpw)])

    return _sc_route


def kernel(x, Wg, bg, We, be, Wc1, bc1, Wc2, bc2, priority):
    b, s, h = x.shape
    n = b * s
    g, epg, _ = We.shape
    e = g * epg
    x_flat = x.reshape(n, h)

    pad = _STATS_W - 4 - e
    w24 = jnp.concatenate(
        [Wg, We.reshape(e, h), jnp.zeros((pad, h), jnp.float32)], axis=0)
    b24 = jnp.concatenate(
        [bg, be.reshape(e), jnp.zeros((pad,), jnp.float32)]
    ).reshape(1, _STATS_W)
    p24 = jnp.concatenate(
        [jnp.ones((4,), jnp.float32), priority,
         jnp.ones((pad,), jnp.float32)]).reshape(1, _STATS_W)

    wc2p = jnp.zeros((_STATS_W, Wc1.shape[0]), jnp.float32).at[20].set(Wc2[0])
    bc2row = jnp.broadcast_to(bc2.reshape(1, 1), (1, _STATS_W))
    stats = _tc_stats(x_flat, w24.astype(jnp.bfloat16), b24, p24,
                      Wc1.astype(jnp.bfloat16), bc1.reshape(1, -1),
                      wc2p.astype(jnp.bfloat16), bc2row)
    disp_flat = _make_sc_route(n)(stats)
    disp = disp_flat.reshape(b, s, e)
    return disp, disp, jnp.zeros((), jnp.float32)

# --- scband reference (transcript-rebuilt; emitter-appended) ---
"""Pipeline reference for scband-hierarchical-expert-gating-37864431681651 (READ-ONLY COPY).

The authoritative reference and input builder live on the scoring server;
editing this copy changes nothing except your own understanding.
"""

import jax, jax.numpy as jnp
import numpy as np

B, S, H = 4, 2048, 2048
G, E, TOPK = 4, 16, 2
EPG = E // G


def setup_inputs(seed: int = 0):
    key = jax.random.key(seed)
    ks = jax.random.split(key, 12)
    s = 1.0 / np.sqrt(H)
    x = jax.random.normal(ks[0], (B, S, H), dtype=jnp.float32)
    Wg = jax.random.uniform(ks[1], (G, H), minval=-s, maxval=s, dtype=jnp.float32)
    bg = jax.random.uniform(ks[2], (G,), minval=-s, maxval=s, dtype=jnp.float32)
    We = jax.random.uniform(ks[3], (G, EPG, H), minval=-s, maxval=s, dtype=jnp.float32)
    be = jax.random.uniform(ks[4], (G, EPG), minval=-s, maxval=s, dtype=jnp.float32)
    Wc1 = jax.random.uniform(ks[5], (H // 4, H), minval=-s, maxval=s, dtype=jnp.float32)
    bc1 = jax.random.uniform(ks[6], (H // 4,), minval=-s, maxval=s, dtype=jnp.float32)
    s2 = 1.0 / np.sqrt(H // 4)
    Wc2 = jax.random.uniform(ks[7], (1, H // 4), minval=-s2, maxval=s2, dtype=jnp.float32)
    bc2 = jax.random.uniform(ks[8], (1,), minval=-s2, maxval=s2, dtype=jnp.float32)
    priority = jnp.where(jnp.arange(E) % EPG == 0, 1.2, 1.0).astype(jnp.float32)
    return {"x": x, "Wg": Wg, "bg": bg, "We": We, "be": be,
            "Wc1": Wc1, "bc1": bc1, "Wc2": Wc2, "bc2": bc2, "priority": priority}


def reference(x, Wg, bg, We, be, Wc1, bc1, Wc2, bc2, priority):
    # eval-mode forward (no router jitter, aux_loss = 0, no training metrics)
    N = B * S
    x_flat = x.reshape(N, H)
    # confidence_estimator: Linear -> GELU -> Linear -> Sigmoid
    h = jax.nn.gelu(x_flat @ Wc1.T + bc1, approximate=False)
    confidence = jax.nn.sigmoid(h @ Wc2.T + bc2)  # [N, 1]
    # group router
    group_logits = x_flat @ Wg.T + bg
    group_probs = jax.nn.softmax(group_logits, axis=-1)
    tgc = min(2, G)
    top_group_probs, top_group_indices = jax.lax.top_k(group_probs, tgc)
    # all expert routers at once: [N, G, EPG]
    expert_logits_all = jnp.einsum('nh,geh->nge', x_flat, We) + be[None, :, :]
    priority_g = priority.reshape(G, EPG)
    expert_scores = jnp.zeros((N, E), dtype=jnp.float32)
    tok = jnp.arange(N)
    for g_idx in range(tgc):
        gid = top_group_indices[:, g_idx]  # [N]
        logits = expert_logits_all[tok, gid] * priority_g[gid]  # [N, EPG]
        probs = jax.nn.softmax(logits, axis=-1)
        probs = probs * confidence + (1.0 - confidence) / EPG
        k = min(TOPK, EPG)
        tp, ti = jax.lax.top_k(probs, k)
        gi = ti + gid[:, None] * EPG  # global expert indices
        wp = tp * top_group_probs[:, g_idx][:, None]
        expert_scores = expert_scores.at[tok[:, None], gi].set(wp)
    expert_scores = expert_scores / (expert_scores.sum(axis=-1, keepdims=True) + 1e-9)
    tks, tki = jax.lax.top_k(expert_scores, TOPK)
    dispatch = jnp.zeros_like(expert_scores)
    for i in range(TOPK):
        dispatch = dispatch.at[tok, tki[:, i]].set(tks[:, i])
    combine = dispatch
    dispatch = dispatch.reshape(B, S, E)
    combine = combine.reshape(B, S, E)
    aux_loss = jnp.asarray(0.0, dtype=jnp.float32)
    return dispatch, combine, aux_loss

if __name__ == "__main__":
    import jax
    _d = setup_inputs()
    print(jax.jit(kernel)(*tuple(_d.values())))

</pallas_src>

<mosaic_0001>
#map = affine_map<(d0, d1) -> (0, 0)>
module attributes {stable_mosaic.version = 14 : i64} {
  func.func @_sc_route(%arg0: i32, %arg1: i32, %arg2: memref<8192x24xf32, #tpu.memory_space<hbm>>, %arg3: memref<8192x16xf32, #tpu.memory_space<hbm>>, %arg4: memref<256x24xf32, #tpu.memory_space<vmem>>, %arg5: memref<256x16xf32, #tpu.memory_space<vmem>>) attributes {dimension_semantics = [#tpu.dimension_semantics<core_parallel>, #tpu.dimension_semantics<subcore_parallel>], iteration_bounds = array<i64: 2, 16>, scalar_prefetch = 0 : i64, scratch_operands = 2 : i64, tpu.core_type = #tpu.core_type<sc_vector_subcore>, window_params = [{transform_indices = #map}, {transform_indices = #map}]} {
    %mul3A = arith.constant 2 : i32
    %mul3A_0 = arith.muli %arg1, %mul3A : i32
    %add3A = arith.addi %mul3A_0, %arg0 : i32
    %mul3A_1 = arith.constant 256 : i32
    %mul3A_2 = arith.muli %add3A, %mul3A_1 : i32
    "tpu.region"() ({
      %run_scoped3A = tpu.sem_alloc : memref<!tpu.dma_semaphore, #tpu.memory_space<semaphore_mem>>
      %dma_start3A = arith.constant 0 : i32
      %dma_start3A_13 = tpu.memref_slice %arg2[%mul3A_2, %dma_start3A] : memref<8192x24xf32, #tpu.memory_space<hbm>> -> memref<256x24xf32, #tpu.memory_space<hbm>>
      %dma_start3A_14 = arith.constant 0 : i32
      %dma_start3A_15 = tpu.memref_slice %arg2[%mul3A_2, %dma_start3A_14] : memref<8192x24xf32, #tpu.memory_space<hbm>> -> memref<256x24xf32, #tpu.memory_space<hbm>>
      tpu.enqueue_dma source(%dma_start3A_15 : memref<256x24xf32, #tpu.memory_space<hbm>>) target(%arg4 : memref<256x24xf32, #tpu.memory_space<vmem>>) target_semaphore(%run_scoped3A : memref<!tpu.dma_semaphore, #tpu.memory_space<semaphore_mem>>)
      %dma_wait3A = arith.constant 0 : i32
      %dma_wait3A_16 = tpu.memref_slice %arg2[%mul3A_2, %dma_wait3A] : memref<8192x24xf32, #tpu.memory_space<hbm>> -> memref<256x24xf32, #tpu.memory_space<hbm>>
      %dma_wait3A_17 = arith.constant 0 : i32
      %dma_wait3A_18 = tpu.memref_slice %arg2[%mul3A_2, %dma_wait3A_17] : memref<8192x24xf32, #tpu.memory_space<hbm>> -> memref<256x24xf32, #tpu.memory_space<hbm>>
      tpu.wait_dma2 semaphore(%run_scoped3A : memref<!tpu.dma_semaphore, #tpu.memory_space<semaphore_mem>>) src(%dma_wait3A_18 : memref<256x24xf32, #tpu.memory_space<hbm>>) dst(%arg4 : memref<256x24xf32, #tpu.memory_space<vmem>>)
      tpu.yield
    }) : () -> ()
    %broadcast_in_dim3A = arith.constant 0.000000e+00 : f32
    %broadcast_in_dim3A_3 = vector.broadcast %broadcast_in_dim3A : f32 to vector<16xf32>
    %iota3A = tpu.iota {dimensions = array<i32: 0>} : vector<16xi32>
    %broadcast_in_dim3A_4 = arith.constant 2.500000e-01 : f32
    %broadcast_in_dim3A_5 = vector.broadcast %broadcast_in_dim3A_4 : f32 to vector<16xf32>
    %broadcast_in_dim3A_6 = arith.constant -1.000000e+00 : f32
    %broadcast_in_dim3A_7 = vector.broadcast %broadcast_in_dim3A_6 : f32 to vector<16xf32>
    %scan3A = arith.constant 0 : i32
    %scan3A_8 = arith.constant 0 : i32
    %scan3A_9 = arith.constant 16 : i32
    %scan3A_10 = arith.addi %scan3A_8, %scan3A_9 : i32
    %scan3A_11 = arith.constant 1 : i32
    scf.for %scan3A_13 = %scan3A_8 to %scan3A_10 step %scan3A_11  : i32 {
      %mul3A_14 = arith.constant 16 : i32
      %mul3A_15 = arith.muli %scan3A_13, %mul3A_14 : i32
      %add3A_16 = vector.broadcast %mul3A_15 : i32 to vector<16xi32>
      %add3A_17 = arith.addi %add3A_16, %iota3A : vector<16xi32>
      %mul3A_18 = arith.constant 16 : i32
      %mul3A_19 = arith.muli %scan3A_13, %mul3A_18 : i32
      %add3A_20 = arith.constant 0 : i32
      %add3A_21 = arith.addi %mul3A_19, %add3A_20 : i32
      %swap3A = arith.index_cast %add3A_21 : i32 to index
      %swap3A_22 = arith.constant 0 : index
      %swap3A_23 = tpu.vector_load %arg5[%swap3A, %swap3A_22] {strides = array<i32>} : memref<256x16xf32, #tpu.memory_space<vmem>>, vector<16xf32>,
      tpu.vector_store %arg5[%swap3A, %swap3A_22], %broadcast_in_dim3A_3 {strides = array<i32>} : memref<256x16xf32, #tpu.memory_space<vmem>>, vector<16xf32>,
      %mul3A_24 = arith.constant 16 : i32
      %mul3A_25 = arith.muli %scan3A_13, %mul3A_24 : i32
      %add3A_26 = arith.constant 1 : i32
      %add3A_27 = arith.addi %mul3A_25, %add3A_26 : i32
      %swap3A_28 = arith.index_cast %add3A_27 : i32 to index
      %swap3A_29 = arith.constant 0 : index
      %swap3A_30 = tpu.vector_load %arg5[%swap3A_28, %swap3A_29] {strides = array<i32>} : memref<256x16xf32, #tpu.memory_space<vmem>>, vector<16xf32>,
      tpu.vector_store %arg5[%swap3A_28, %swap3A_29], %broadcast_in_dim3A_3 {strides = array<i32>} : memref<256x16xf32, #tpu.memory_space<vmem>>, vector<16xf32>,
      %mul3A_31 = arith.constant 16 : i32
      %mul3A_32 = arith.muli %scan3A_13, %mul3A_31 : i32
      %add3A_33 = arith.constant 2 : i32
      %add3A_34 = arith.addi %mul3A_32, %add3A_33 : i32
      %swap3A_35 = arith.index_cast %add3A_34 : i32 to index
      %swap3A_36 = arith.constant 0 : index
      %swap3A_37 = tpu.vector_load %arg5[%swap3A_35, %swap3A_36] {strides = array<i32>} : memref<256x16xf32, #tpu.memory_space<vmem>>, vector<16xf32>,
      tpu.vector_store %arg5[%swap3A_35, %swap3A_36], %broadcast_in_dim3A_3 {strides = array<i32>} : memref<256x16xf32, #tpu.memory_space<vmem>>, vector<16xf32>,
      %mul3A_38 = arith.constant 16 : i32
      %mul3A_39 = arith.muli %scan3A_13, %mul3A_38 : i32
      %add3A_40 = arith.constant 3 : i32
      %add3A_41 = arith.addi %mul3A_39, %add3A_40 : i32
      %swap3A_42 = arith.index_cast %add3A_41 : i32 to index
      %swap3A_43 = arith.constant 0 : index
      %swap3A_44 = tpu.vector_load %arg5[%swap3A_42, %swap3A_43] {strides = array<i32>} : memref<256x16xf32, #tpu.memory_space<vmem>>, vector<16xf32>,
      tpu.vector_store %arg5[%swap3A_42, %swap3A_43], %broadcast_in_dim3A_3 {strides = array<i32>} : memref<256x16xf32, #tpu.memory_space<vmem>>, vector<16xf32>,
      %mul3A_45 = arith.constant 16 : i32
      %mul3A_46 = arith.muli %scan3A_13, %mul3A_45 : i32
      %add3A_47 = arith.constant 4 : i32
      %add3A_48 = arith.addi %mul3A_46, %add3A_47 : i32
      %swap3A_49 = arith.index_cast %add3A_48 : i32 to index
      %swap3A_50 = arith.constant 0 : index
      %swap3A_51 = tpu.vector_load %arg5[%swap3A_49, %swap3A_50] {strides = array<i32>} : memref<256x16xf32, #tpu.memory_space<vmem>>, vector<16xf32>,
      tpu.vector_store %arg5[%swap3A_49, %swap3A_50], %broadcast_in_dim3A_3 {strides = array<i32>} : memref<256x16xf32, #tpu.memory_space<vmem>>, vector<16xf32>,
      %mul3A_52 = arith.constant 16 : i32
      %mul3A_53 = arith.muli %scan3A_13, %mul3A_52 : i32
      %add3A_54 = arith.constant 5 : i32
      %add3A_55 = arith.addi %mul3A_53, %add3A_54 : i32
      %swap3A_56 = arith.index_cast %add3A_55 : i32 to index
      %swap3A_57 = arith.constant 0 : index
      %swap3A_58 = tpu.vector_load %arg5[%swap3A_56, %swap3A_57] {strides = array<i32>} : memref<256x16xf32, #tpu.memory_space<vmem>>, vector<16xf32>,
      tpu.vector_store %arg5[%swap3A_56, %swap3A_57], %broadcast_in_dim3A_3 {strides = array<i32>} : memref<256x16xf32, #tpu.memory_space<vmem>>, vector<16xf32>,
      %mul3A_59 = arith.constant 16 : i32
      %mul3A_60 = arith.muli %scan3A_13, %mul3A_59 : i32
      %add3A_61 = arith.constant 6 : i32
      %add3A_62 = arith.addi %mul3A_60, %add3A_61 : i32
      %swap3A_63 = arith.index_cast %add3A_62 : i32 to index
      %swap3A_64 = arith.constant 0 : index
      %swap3A_65 = tpu.vector_load %arg5[%swap3A_63, %swap3A_64] {strides = array<i32>} : memref<256x16xf32, #tpu.memory_space<vmem>>, vector<16xf32>,
      tpu.vector_store %arg5[%swap3A_63, %swap3A_64], %broadcast_in_dim3A_3 {strides = array<i32>} : memref<256x16xf32, #tpu.memory_space<vmem>>, vector<16xf32>,
      %mul3A_66 = arith.constant 16 : i32
      %mul3A_67 = arith.muli %scan3A_13, %mul3A_66 : i32
      %add3A_68 = arith.constant 7 : i32
      %add3A_69 = arith.addi %mul3A_67, %add3A_68 : i32
      %swap3A_70 = arith.index_cast %add3A_69 : i32 to index
      %swap3A_71 = arith.constant 0 : index
      %swap3A_72 = tpu.vector_load %arg5[%swap3A_70, %swap3A_71] {strides = array<i32>} : memref<256x16xf32, #tpu.memory_space<vmem>>, vector<16xf32>,
      tpu.vector_store %arg5[%swap3A_70, %swap3A_71], %broadcast_in_dim3A_3 {strides = array<i32>} : memref<256x16xf32, #tpu.memory_space<vmem>>, vector<16xf32>,
      %mul3A_73 = arith.constant 16 : i32
      %mul3A_74 = arith.muli %scan3A_13, %mul3A_73 : i32
      %add3A_75 = arith.constant 8 : i32
      %add3A_76 = arith.addi %mul3A_74, %add3A_75 : i32
      %swap3A_77 = arith.index_cast %add3A_76 : i32 to index
      %swap3A_78 = arith.constant 0 : index
      %swap3A_79 = tpu.vector_load %arg5[%swap3A_77, %swap3A_78] {strides = array<i32>} : memref<256x16xf32, #tpu.memory_space<vmem>>, vector<16xf32>,
      tpu.vector_store %arg5[%swap3A_77, %swap3A_78], %broadcast_in_dim3A_3 {strides = array<i32>} : memref<256x16xf32, #tpu.memory_space<vmem>>, vector<16xf32>,
      %mul3A_80 = arith.constant 16 : i32
      %mul3A_81 = arith.muli %scan3A_13, %mul3A_80 : i32
      %add3A_82 = arith.constant 9 : i32
      %add3A_83 = arith.addi %mul3A_81, %add3A_82 : i32
      %swap3A_84 = arith.index_cast %add3A_83 : i32 to index
      %swap3A_85 = arith.constant 0 : index
      %swap3A_86 = tpu.vector_load %arg5[%swap3A_84, %swap3A_85] {strides = array<i32>} : memref<256x16xf32, #tpu.memory_space<vmem>>, vector<16xf32>,
      tpu.vector_store %arg5[%swap3A_84, %swap3A_85], %broadcast_in_dim3A_3 {strides = array<i32>} : memref<256x16xf32, #tpu.memory_space<vmem>>, vector<16xf32>,
      %mul3A_87 = arith.constant 16 : i32
      %mul3A_88 = arith.muli %scan3A_13, %mul3A_87 : i32
      %add3A_89 = arith.constant 10 : i32
      %add3A_90 = arith.addi %mul3A_88, %add3A_89 : i32
      %swap3A_91 = arith.index_cast %add3A_90 : i32 to index
      %swap3A_92 = arith.constant 0 : index
      %swap3A_93 = tpu.vector_load %arg5[%swap3A_91, %swap3A_92] {strides = array<i32>} : memref<256x16xf32, #tpu.memory_space<vmem>>, vector<16xf32>,
      tpu.vector_store %arg5[%swap3A_91, %swap3A_92], %broadcast_in_dim3A_3 {strides = array<i32>} : memref<256x16xf32, #tpu.memory_space<vmem>>, vector<16xf32>,
      %mul3A_94 = arith.constant 16 : i32
      %mul3A_95 = arith.muli %scan3A_13, %mul3A_94 : i32
      %add3A_96 = arith.constant 11 : i32
      %add3A_97 = arith.addi %mul3A_95, %add3A_96 : i32
      %swap3A_98 = arith.index_cast %add3A_97 : i32 to index
      %swap3A_99 = arith.constant 0 : index
      %swap3A_100 = tpu.vector_load %arg5[%swap3A_98, %swap3A_99] {strides = array<i32>} : memref<256x16xf32, #tpu.memory_space<vmem>>, vector<16xf32>,
      tpu.vector_store %arg5[%swap3A_98, %swap3A_99], %broadcast_in_dim3A_3 {strides = array<i32>} : memref<256x16xf32, #tpu.memory_space<vmem>>, vector<16xf32>,
      %mul3A_101 = arith.constant 16 : i32
      %mul3A_102 = arith.muli %scan3A_13, %mul3A_101 : i32
      %add3A_103 = arith.constant 12 : i32
      %add3A_104 = arith.addi %mul3A_102, %add3A_103 : i32
      %swap3A_105 = arith.index_cast %add3A_104 : i32 to index
      %swap3A_106 = arith.constant 0 : index
      %swap3A_107 = tpu.vector_load %arg5[%swap3A_105, %swap3A_106] {strides = array<i32>} : memref<256x16xf32, #tpu.memory_space<vmem>>, vector<16xf32>,
      tpu.vector_store %arg5[%swap3A_105, %swap3A_106], %broadcast_in_dim3A_3 {strides = array<i32>} : memref<256x16xf32, #tpu.memory_space<vmem>>, vector<16xf32>,
      %mul3A_108 = arith.constant 16 : i32
      %mul3A_109 = arith.muli %scan3A_13, %mul3A_108 : i32
      %add3A_110 = arith.constant 13 : i32
      %add3A_111 = arith.addi %mul3A_109, %add3A_110 : i32
      %swap3A_112 = arith.index_cast %add3A_111 : i32 to index
      %swap3A_113 = arith.constant 0 : index
      %swap3A_114 = tpu.vector_load %arg5[%swap3A_112, %swap3A_113] {strides = array<i32>} : memref<256x16xf32, #tpu.memory_space<vmem>>, vector<16xf32>,
      tpu.vector_store %arg5[%swap3A_112, %swap3A_113], %broadcast_in_dim3A_3 {strides = array<i32>} : memref<256x16xf32, #tpu.memory_space<vmem>>, vector<16xf32>,
      %mul3A_115 = arith.constant 16 : i32
      %mul3A_116 = arith.muli %scan3A_13, %mul3A_115 : i32
      %add3A_117 = arith.constant 14 : i32
      %add3A_118 = arith.addi %mul3A_116, %add3A_117 : i32
      %swap3A_119 = arith.index_cast %add3A_118 : i32 to index
      %swap3A_120 = arith.constant 0 : index
      %swap3A_121 = tpu.vector_load %arg5[%swap3A_119, %swap3A_120] {strides = array<i32>} : memref<256x16xf32, #tpu.memory_space<vmem>>, vector<16xf32>,
      tpu.vector_store %arg5[%swap3A_119, %swap3A_120], %broadcast_in_dim3A_3 {strides = array<i32>} : memref<256x16xf32, #tpu.memory_space<vmem>>, vector<16xf32>,
      %mul3A_122 = arith.constant 16 : i32
      %mul3A_123 = arith.muli %scan3A_13, %mul3A_122 : i32
      %add3A_124 = arith.constant 15 : i32
      %add3A_125 = arith.addi %mul3A_123, %add3A_124 : i32
      %swap3A_126 = arith.index_cast %add3A_125 : i32 to index
      %swap3A_127 = arith.constant 0 : index
      %swap3A_128 = tpu.vector_load %arg5[%swap3A_126, %swap3A_127] {strides = array<i32>} : memref<256x16xf32, #tpu.memory_space<vmem>>, vector<16xf32>,
      tpu.vector_store %arg5[%swap3A_126, %swap3A_127], %broadcast_in_dim3A_3 {strides = array<i32>} : memref<256x16xf32, #tpu.memory_space<vmem>>, vector<16xf32>,
      %broadcast_in_dim3A_129 = arith.constant 0 : i32
      %broadcast_in_dim3A_130 = vector.broadcast %broadcast_in_dim3A_129 : i32 to vector<16xi32>
      %gather3A = tpu.vector_load_idx %arg4[%add3A_17, %broadcast_in_dim3A_130] : memref<256x24xf32, #tpu.memory_space<vmem>>[vector<16xi32>, vector<16xi32>], vector<16xf32>,
      %broadcast_in_dim3A_131 = arith.constant 1 : i32
      %broadcast_in_dim3A_132 = vector.broadcast %broadcast_in_dim3A_131 : i32 to vector<16xi32>
      %gather3A_133 = tpu.vector_load_idx %arg4[%add3A_17, %broadcast_in_dim3A_132] : memref<256x24xf32, #tpu.memory_space<vmem>>[vector<16xi32>, vector<16xi32>], vector<16xf32>,
      %broadcast_in_dim3A_134 = arith.constant 2 : i32
      %broadcast_in_dim3A_135 = vector.broadcast %broadcast_in_dim3A_134 : i32 to vector<16xi32>
      %gather3A_136 = tpu.vector_load_idx %arg4[%add3A_17, %broadcast_in_dim3A_135] : memref<256x24xf32, #tpu.memory_space<vmem>>[vector<16xi32>, vector<16xi32>], vector<16xf32>,
      %broadcast_in_dim3A_137 = arith.constant 3 : i32
      %broadcast_in_dim3A_138 = vector.broadcast %broadcast_in_dim3A_137 : i32 to vector<16xi32>
      %gather3A_139 = tpu.vector_load_idx %arg4[%add3A_17, %broadcast_in_dim3A_138] : memref<256x24xf32, #tpu.memory_space<vmem>>[vector<16xi32>, vector<16xi32>], vector<16xf32>,
      %max3A = arith.maximumf %gather3A, %gather3A_133 : vector<16xf32>
      %max3A_140 = arith.maximumf %gather3A_136, %gather3A_139 : vector<16xf32>
      %max3A_141 = arith.maximumf %max3A, %max3A_140 : vector<16xf32>
      %sub3A = arith.subf %gather3A, %max3A_141 : vector<16xf32>
      %exp3A = math.exp %sub3A : vector<16xf32>
      %sub3A_142 = arith.subf %gather3A_133, %max3A_141 : vector<16xf32>
      %exp3A_143 = math.exp %sub3A_142 : vector<16xf32>
      %sub3A_144 = arith.subf %gather3A_136, %max3A_141 : vector<16xf32>
      %exp3A_145 = math.exp %sub3A_144 : vector<16xf32>
      %sub3A_146 = arith.subf %gather3A_139, %max3A_141 : vector<16xf32>
      %exp3A_147 = math.exp %sub3A_146 : vector<16xf32>
      %add3A_148 = arith.addf %exp3A, %exp3A_143 : vector<16xf32>
      %add3A_149 = arith.addf %add3A_148, %exp3A_145 : vector<16xf32>
      %add3A_150 = arith.addf %add3A_149, %exp3A_147 : vector<16xf32>
      %div3A = arith.divf %exp3A, %add3A_150 : vector<16xf32>
      %div3A_151 = arith.divf %exp3A_143, %add3A_150 : vector<16xf32>
      %div3A_152 = arith.divf %exp3A_145, %add3A_150 : vector<16xf32>
      %div3A_153 = arith.divf %exp3A_147, %add3A_150 : vector<16xf32>
      %broadcast_in_dim3A_154 = arith.constant 0 : i32
      %broadcast_in_dim3A_155 = vector.broadcast %broadcast_in_dim3A_154 : i32 to vector<16xi32>
      %broadcast_in_dim3A_156 = arith.constant 1 : i32
      %broadcast_in_dim3A_157 = vector.broadcast %broadcast_in_dim3A_156 : i32 to vector<16xi32>
      %broadcast_in_dim3A_158 = arith.constant 2 : i32
      %broadcast_in_dim3A_159 = vector.broadcast %broadcast_in_dim3A_158 : i32 to vector<16xi32>
      %broadcast_in_dim3A_160 = arith.constant 3 : i32
      %broadcast_in_dim3A_161 = vector.broadcast %broadcast_in_dim3A_160 : i32 to vector<16xi32>
      %broadcast_in_dim3A_162 = arith.constant 64 : i32
      %broadcast_in_dim3A_163 = vector.broadcast %broadcast_in_dim3A_162 : i32 to vector<16xi32>
      %gt3A = arith.cmpf ogt, %div3A, %broadcast_in_dim3A_7 : vector<16xf32>
      %eq3A = arith.cmpf oeq, %div3A, %broadcast_in_dim3A_7 : vector<16xf32>
      %lt3A = arith.cmpi slt, %broadcast_in_dim3A_155, %broadcast_in_dim3A_163 : vector<16xi32>
      %and3A = arith.andi %eq3A, %lt3A : vector<16xi1>
      %or3A = arith.ori %gt3A, %and3A : vector<16xi1>
      %select_n3A = arith.select %or3A, %div3A, %broadcast_in_dim3A_7 : vector<16xi1>, vector<16xf32>
      %select_n3A_164 = arith.select %or3A, %broadcast_in_dim3A_155, %broadcast_in_dim3A_163 : vector<16xi1>, vector<16xi32>
      %gt3A_165 = arith.cmpf ogt, %div3A_151, %select_n3A : vector<16xf32>
      %eq3A_166 = arith.cmpf oeq, %div3A_151, %select_n3A : vector<16xf32>
      %lt3A_167 = arith.cmpi slt, %broadcast_in_dim3A_157, %select_n3A_164 : vector<16xi32>
      %and3A_168 = arith.andi %eq3A_166, %lt3A_167 : vector<16xi1>
      %or3A_169 = arith.ori %gt3A_165, %and3A_168 : vector<16xi1>
      %select_n3A_170 = arith.select %or3A_169, %div3A_151, %select_n3A : vector<16xi1>, vector<16xf32>
      %select_n3A_171 = arith.select %or3A_169, %broadcast_in_dim3A_157, %select_n3A_164 : vector<16xi1>, vector<16xi32>
      %gt3A_172 = arith.cmpf ogt, %div3A_152, %select_n3A_170 : vector<16xf32>
      %eq3A_173 = arith.cmpf oeq, %div3A_152, %select_n3A_170 : vector<16xf32>
      %lt3A_174 = arith.cmpi slt, %broadcast_in_dim3A_159, %select_n3A_171 : vector<16xi32>
      %and3A_175 = arith.andi %eq3A_173, %lt3A_174 : vector<16xi1>
      %or3A_176 = arith.ori %gt3A_172, %and3A_175 : vector<16xi1>
      %select_n3A_177 = arith.select %or3A_176, %div3A_152, %select_n3A_170 : vector<16xi1>, vector<16xf32>
      %select_n3A_178 = arith.select %or3A_176, %broadcast_in_dim3A_159, %select_n3A_171 : vector<16xi1>, vector<16xi32>
      %gt3A_179 = arith.cmpf ogt, %div3A_153, %select_n3A_177 : vector<16xf32>
      %eq3A_180 = arith.cmpf oeq, %div3A_153, %select_n3A_177 : vector<16xf32>
      %lt3A_181 = arith.cmpi slt, %broadcast_in_dim3A_161, %select_n3A_178 : vector<16xi32>
      %and3A_182 = arith.andi %eq3A_180, %lt3A_181 : vector<16xi1>
      %or3A_183 = arith.ori %gt3A_179, %and3A_182 : vector<16xi1>
      %select_n3A_184 = arith.select %or3A_183, %div3A_153, %select_n3A_177 : vector<16xi1>, vector<16xf32>
      %select_n3A_185 = arith.select %or3A_183, %broadcast_in_dim3A_161, %select_n3A_178 : vector<16xi1>, vector<16xi32>
      %eq3A_186 = arith.cmpi eq, %broadcast_in_dim3A_155, %select_n3A_185 : vector<16xi32>
      %jit3A = arith.constant -1.000000e+00 : f32
      %broadcast_in_dim3A_187 = vector.broadcast %jit3A : f32 to vector<16xf32>
      %select_n3A_188 = arith.select %eq3A_186, %broadcast_in_dim3A_187, %div3A : vector<16xi1>, vector<16xf32>
      %eq3A_189 = arith.cmpi eq, %broadcast_in_dim3A_157, %select_n3A_185 : vector<16xi32>
      %jit3A_190 = arith.constant -1.000000e+00 : f32
      %broadcast_in_dim3A_191 = vector.broadcast %jit3A_190 : f32 to vector<16xf32>
      %select_n3A_192 = arith.select %eq3A_189, %broadcast_in_dim3A_191, %div3A_151 : vector<16xi1>, vector<16xf32>
      %eq3A_193 = arith.cmpi eq, %broadcast_in_dim3A_159, %select_n3A_185 : vector<16xi32>
      %jit3A_194 = arith.constant -1.000000e+00 : f32
      %broadcast_in_dim3A_195 = vector.broadcast %jit3A_194 : f32 to vector<16xf32>
      %select_n3A_196 = arith.select %eq3A_193, %broadcast_in_dim3A_195, %div3A_152 : vector<16xi1>, vector<16xf32>
      %eq3A_197 = arith.cmpi eq, %broadcast_in_dim3A_161, %select_n3A_185 : vector<16xi32>
      %jit3A_198 = arith.constant -1.000000e+00 : f32
      %broadcast_in_dim3A_199 = vector.broadcast %jit3A_198 : f32 to vector<16xf32>
      %select_n3A_200 = arith.select %eq3A_197, %broadcast_in_dim3A_199, %div3A_153 : vector<16xi1>, vector<16xf32>
      %gt3A_201 = arith.cmpf ogt, %select_n3A_188, %broadcast_in_dim3A_7 : vector<16xf32>
      %eq3A_202 = arith.cmpf oeq, %select_n3A_188, %broadcast_in_dim3A_7 : vector<16xf32>
      %lt3A_203 = arith.cmpi slt, %broadcast_in_dim3A_155, %broadcast_in_dim3A_163 : vector<16xi32>
      %and3A_204 = arith.andi %eq3A_202, %lt3A_203 : vector<16xi1>
      %or3A_205 = arith.ori %gt3A_201, %and3A_204 : vector<16xi1>
      %select_n3A_206 = arith.select %or3A_205, %select_n3A_188, %broadcast_in_dim3A_7 : vector<16xi1>, vector<16xf32>
      %select_n3A_207 = arith.select %or3A_205, %broadcast_in_dim3A_155, %broadcast_in_dim3A_163 : vector<16xi1>, vector<16xi32>
      %gt3A_208 = arith.cmpf ogt, %select_n3A_192, %select_n3A_206 : vector<16xf32>
      %eq3A_209 = arith.cmpf oeq, %select_n3A_192, %select_n3A_206 : vector<16xf32>
      %lt3A_210 = arith.cmpi slt, %broadcast_in_dim3A_157, %select_n3A_207 : vector<16xi32>
      %and3A_211 = arith.andi %eq3A_209, %lt3A_210 : vector<16xi1>
      %or3A_212 = arith.ori %gt3A_208, %and3A_211 : vector<16xi1>
      %select_n3A_213 = arith.select %or3A_212, %select_n3A_192, %select_n3A_206 : vector<16xi1>, vector<16xf32>
      %select_n3A_214 = arith.select %or3A_212, %broadcast_in_dim3A_157, %select_n3A_207 : vector<16xi1>, vector<16xi32>
      %gt3A_215 = arith.cmpf ogt, %select_n3A_196, %select_n3A_213 : vector<16xf32>
      %eq3A_216 = arith.cmpf oeq, %select_n3A_196, %select_n3A_213 : vector<16xf32>
      %lt3A_217 = arith.cmpi slt, %broadcast_in_dim3A_159, %select_n3A_214 : vector<16xi32>
      %and3A_218 = arith.andi %eq3A_216, %lt3A_217 : vector<16xi1>
      %or3A_219 = arith.ori %gt3A_215, %and3A_218 : vector<16xi1>
      %select_n3A_220 = arith.select %or3A_219, %select_n3A_196, %select_n3A_213 : vector<16xi1>, vector<16xf32>
      %select_n3A_221 = arith.select %or3A_219, %broadcast_in_dim3A_159, %select_n3A_214 : vector<16xi1>, vector<16xi32>
      %gt3A_222 = arith.cmpf ogt, %select_n3A_200, %select_n3A_220 : vector<16xf32>
      %eq3A_223 = arith.cmpf oeq, %select_n3A_200, %select_n3A_220 : vector<16xf32>
      %lt3A_224 = arith.cmpi slt, %broadcast_in_dim3A_161, %select_n3A_221 : vector<16xi32>
      %and3A_225 = arith.andi %eq3A_223, %lt3A_224 : vector<16xi1>
      %or3A_226 = arith.ori %gt3A_222, %and3A_225 : vector<16xi1>
      %select_n3A_227 = arith.select %or3A_226, %select_n3A_200, %select_n3A_220 : vector<16xi1>, vector<16xf32>
      %select_n3A_228 = arith.select %or3A_226, %broadcast_in_dim3A_161, %select_n3A_221 : vector<16xi1>, vector<16xi32>
      %broadcast_in_dim3A_229 = arith.constant 20 : i32
      %broadcast_in_dim3A_230 = vector.broadcast %broadcast_in_dim3A_229 : i32 to vector<16xi32>
      %gather3A_231 = tpu.vector_load_idx %arg4[%add3A_17, %broadcast_in_dim3A_230] : memref<256x24xf32, #tpu.memory_space<vmem>>[vector<16xi32>, vector<16xi32>], vector<16xf32>,
      %sub3A_232 = arith.constant 1.000000e+00 : f32
      %sub3A_233 = vector.broadcast %sub3A_232 : f32 to vector<16xf32>
      %sub3A_234 = arith.subf %sub3A_233, %gather3A_231 : vector<16xf32>
      %mul3A_235 = arith.mulf %sub3A_234, %broadcast_in_dim3A_5 : vector<16xf32>
      %mul3A_236 = arith.constant 4 : i32
      %mul3A_237 = vector.broadcast %mul3A_236 : i32 to vector<16xi32>
      %mul3A_238 = arith.muli %select_n3A_185, %mul3A_237 : vector<16xi32>
      %add3A_239 = arith.constant 4 : i32
      %add3A_240 = vector.broadcast %add3A_239 : i32 to vector<16xi32>
      %add3A_241 = arith.addi %add3A_240, %mul3A_238 : vector<16xi32>
      %add3A_242 = arith.constant 0 : i32
      %add3A_243 = vector.broadcast %add3A_242 : i32 to vector<16xi32>
      %add3A_244 = arith.addi %add3A_241, %add3A_243 : vector<16xi32>
      %gather3A_245 = tpu.vector_load_idx %arg4[%add3A_17, %add3A_244] : memref<256x24xf32, #tpu.memory_space<vmem>>[vector<16xi32>, vector<16xi32>], vector<16xf32>,
      %add3A_246 = arith.constant 1 : i32
      %add3A_247 = vector.broadcast %add3A_246 : i32 to vector<16xi32>
      %add3A_248 = arith.addi %add3A_241, %add3A_247 : vector<16xi32>
      %gather3A_249 = tpu.vector_load_idx %arg4[%add3A_17, %add3A_248] : memref<256x24xf32, #tpu.memory_space<vmem>>[vector<16xi32>, vector<16xi32>], vector<16xf32>,
      %add3A_250 = arith.constant 2 : i32
      %add3A_251 = vector.broadcast %add3A_250 : i32 to vector<16xi32>
      %add3A_252 = arith.addi %add3A_241, %add3A_251 : vector<16xi32>
      %gather3A_253 = tpu.vector_load_idx %arg4[%add3A_17, %add3A_252] : memref<256x24xf32, #tpu.memory_space<vmem>>[vector<16xi32>, vector<16xi32>], vector<16xf32>,
      %add3A_254 = arith.constant 3 : i32
      %add3A_255 = vector.broadcast %add3A_254 : i32 to vector<16xi32>
      %add3A_256 = arith.addi %add3A_241, %add3A_255 : vector<16xi32>
      %gather3A_257 = tpu.vector_load_idx %arg4[%add3A_17, %add3A_256] : memref<256x24xf32, #tpu.memory_space<vmem>>[vector<16xi32>, vector<16xi32>], vector<16xf32>,
      %max3A_258 = arith.maximumf %gather3A_245, %gather3A_249 : vector<16xf32>
      %max3A_259 = arith.maximumf %gather3A_253, %gather3A_257 : vector<16xf32>
      %max3A_260 = arith.maximumf %max3A_258, %max3A_259 : vector<16xf32>
      %sub3A_261 = arith.subf %gather3A_245, %max3A_260 : vector<16xf32>
      %exp3A_262 = math.exp %sub3A_261 : vector<16xf32>
      %sub3A_263 = arith.subf %gather3A_249, %max3A_260 : vector<16xf32>
      %exp3A_264 = math.exp %sub3A_263 : vector<16xf32>
      %sub3A_265 = arith.subf %gather3A_253, %max3A_260 : vector<16xf32>
      %exp3A_266 = math.exp %sub3A_265 : vector<16xf32>
      %sub3A_267 = arith.subf %gather3A_257, %max3A_260 : vector<16xf32>
      %exp3A_268 = math.exp %sub3A_267 : vector<16xf32>
      %add3A_269 = arith.addf %exp3A_262, %exp3A_264 : vector<16xf32>
      %add3A_270 = arith.addf %add3A_269, %exp3A_266 : vector<16xf32>
      %add3A_271 = arith.addf %add3A_270, %exp3A_268 : vector<16xf32>
      %div3A_272 = arith.divf %exp3A_262, %add3A_271 : vector<16xf32>
      %mul3A_273 = arith.mulf %div3A_272, %gather3A_231 : vector<16xf32>
      %add3A_274 = arith.addf %mul3A_273, %mul3A_235 : vector<16xf32>
      %div3A_275 = arith.divf %exp3A_264, %add3A_271 : vector<16xf32>
      %mul3A_276 = arith.mulf %div3A_275, %gather3A_231 : vector<16xf32>
      %add3A_277 = arith.addf %mul3A_276, %mul3A_235 : vector<16xf32>
      %div3A_278 = arith.divf %exp3A_266, %add3A_271 : vector<16xf32>
      %mul3A_279 = arith.mulf %div3A_278, %gather3A_231 : vector<16xf32>
      %add3A_280 = arith.addf %mul3A_279, %mul3A_235 : vector<16xf32>
      %div3A_281 = arith.divf %exp3A_268, %add3A_271 : vector<16xf32>
      %mul3A_282 = arith.mulf %div3A_281, %gather3A_231 : vector<16xf32>
      %add3A_283 = arith.addf %mul3A_282, %mul3A_235 : vector<16xf32>
      %broadcast_in_dim3A_284 = arith.constant 0 : i32
      %broadcast_in_dim3A_285 = vector.broadcast %broadcast_in_dim3A_284 : i32 to vector<16xi32>
      %broadcast_in_dim3A_286 = arith.constant 1 : i32
      %broadcast_in_dim3A_287 = vector.broadcast %broadcast_in_dim3A_286 : i32 to vector<16xi32>
      %broadcast_in_dim3A_288 = arith.constant 2 : i32
      %broadcast_in_dim3A_289 = vector.broadcast %broadcast_in_dim3A_288 : i32 to vector<16xi32>
      %broadcast_in_dim3A_290 = arith.constant 3 : i32
      %broadcast_in_dim3A_291 = vector.broadcast %broadcast_in_dim3A_290 : i32 to vector<16xi32>
      %gt3A_292 = arith.cmpf ogt, %add3A_274, %broadcast_in_dim3A_7 : vector<16xf32>
      %eq3A_293 = arith.cmpf oeq, %add3A_274, %broadcast_in_dim3A_7 : vector<16xf32>
      %lt3A_294 = arith.cmpi slt, %broadcast_in_dim3A_285, %broadcast_in_dim3A_163 : vector<16xi32>
      %and3A_295 = arith.andi %eq3A_293, %lt3A_294 : vector<16xi1>
      %or3A_296 = arith.ori %gt3A_292, %and3A_295 : vector<16xi1>
      %select_n3A_297 = arith.select %or3A_296, %add3A_274, %broadcast_in_dim3A_7 : vector<16xi1>, vector<16xf32>
      %select_n3A_298 = arith.select %or3A_296, %broadcast_in_dim3A_285, %broadcast_in_dim3A_163 : vector<16xi1>, vector<16xi32>
      %gt3A_299 = arith.cmpf ogt, %add3A_277, %select_n3A_297 : vector<16xf32>
      %eq3A_300 = arith.cmpf oeq, %add3A_277, %select_n3A_297 : vector<16xf32>
      %lt3A_301 = arith.cmpi slt, %broadcast_in_dim3A_287, %select_n3A_298 : vector<16xi32>
      %and3A_302 = arith.andi %eq3A_300, %lt3A_301 : vector<16xi1>
      %or3A_303 = arith.ori %gt3A_299, %and3A_302 : vector<16xi1>
      %select_n3A_304 = arith.select %or3A_303, %add3A_277, %select_n3A_297 : vector<16xi1>, vector<16xf32>
      %select_n3A_305 = arith.select %or3A_303, %broadcast_in_dim3A_287, %select_n3A_298 : vector<16xi1>, vector<16xi32>
      %gt3A_306 = arith.cmpf ogt, %add3A_280, %select_n3A_304 : vector<16xf32>
      %eq3A_307 = arith.cmpf oeq, %add3A_280, %select_n3A_304 : vector<16xf32>
      %lt3A_308 = arith.cmpi slt, %broadcast_in_dim3A_289, %select_n3A_305 : vector<16xi32>
      %and3A_309 = arith.andi %eq3A_307, %lt3A_308 : vector<16xi1>
      %or3A_310 = arith.ori %gt3A_306, %and3A_309 : vector<16xi1>
      %select_n3A_311 = arith.select %or3A_310, %add3A_280, %select_n3A_304 : vector<16xi1>, vector<16xf32>
      %select_n3A_312 = arith.select %or3A_310, %broadcast_in_dim3A_289, %select_n3A_305 : vector<16xi1>, vector<16xi32>
      %gt3A_313 = arith.cmpf ogt, %add3A_283, %select_n3A_311 : vector<16xf32>
      %eq3A_314 = arith.cmpf oeq, %add3A_283, %select_n3A_311 : vector<16xf32>
      %lt3A_315 = arith.cmpi slt, %broadcast_in_dim3A_291, %select_n3A_312 : vector<16xi32>
      %and3A_316 = arith.andi %eq3A_314, %lt3A_315 : vector<16xi1>
      %or3A_317 = arith.ori %gt3A_313, %and3A_316 : vector<16xi1>
      %select_n3A_318 = arith.select %or3A_317, %add3A_283, %select_n3A_311 : vector<16xi1>, vector<16xf32>
      %select_n3A_319 = arith.select %or3A_317, %broadcast_in_dim3A_291, %select_n3A_312 : vector<16xi1>, vector<16xi32>
      %eq3A_320 = arith.cmpi eq, %broadcast_in_dim3A_285, %select_n3A_319 : vector<16xi32>
      %jit3A_321 = arith.constant -1.000000e+00 : f32
      %broadcast_in_dim3A_322 = vector.broadcast %jit3A_321 : f32 to vector<16xf32>
      %select_n3A_323 = arith.select %eq3A_320, %broadcast_in_dim3A_322, %add3A_274 : vector<16xi1>, vector<16xf32>
      %eq3A_324 = arith.cmpi eq, %broadcast_in_dim3A_287, %select_n3A_319 : vector<16xi32>
      %jit3A_325 = arith.constant -1.000000e+00 : f32
      %broadcast_in_dim3A_326 = vector.broadcast %jit3A_325 : f32 to vector<16xf32>
      %select_n3A_327 = arith.select %eq3A_324, %broadcast_in_dim3A_326, %add3A_277 : vector<16xi1>, vector<16xf32>
      %eq3A_328 = arith.cmpi eq, %broadcast_in_dim3A_289, %select_n3A_319 : vector<16xi32>
      %jit3A_329 = arith.constant -1.000000e+00 : f32
      %broadcast_in_dim3A_330 = vector.broadcast %jit3A_329 : f32 to vector<16xf32>
      %select_n3A_331 = arith.select %eq3A_328, %broadcast_in_dim3A_330, %add3A_280 : vector<16xi1>, vector<16xf32>
      %eq3A_332 = arith.cmpi eq, %broadcast_in_dim3A_291, %select_n3A_319 : vector<16xi32>
      %jit3A_333 = arith.constant -1.000000e+00 : f32
      %broadcast_in_dim3A_334 = vector.broadcast %jit3A_333 : f32 to vector<16xf32>
      %select_n3A_335 = arith.select %eq3A_332, %broadcast_in_dim3A_334, %add3A_283 : vector<16xi1>, vector<16xf32>
      %gt3A_336 = arith.cmpf ogt, %select_n3A_323, %broadcast_in_dim3A_7 : vector<16xf32>
      %eq3A_337 = arith.cmpf oeq, %select_n3A_323, %broadcast_in_dim3A_7 : vector<16xf32>
      %lt3A_338 = arith.cmpi slt, %broadcast_in_dim3A_285, %broadcast_in_dim3A_163 : vector<16xi32>
      %and3A_339 = arith.andi %eq3A_337, %lt3A_338 : vector<16xi1>
      %or3A_340 = arith.ori %gt3A_336, %and3A_339 : vector<16xi1>
      %select_n3A_341 = arith.select %or3A_340, %select_n3A_323, %broadcast_in_dim3A_7 : vector<16xi1>, vector<16xf32>
      %select_n3A_342 = arith.select %or3A_340, %broadcast_in_dim3A_285, %broadcast_in_dim3A_163 : vector<16xi1>, vector<16xi32>
      %gt3A_343 = arith.cmpf ogt, %select_n3A_327, %select_n3A_341 : vector<16xf32>
      %eq3A_344 = arith.cmpf oeq, %select_n3A_327, %select_n3A_341 : vector<16xf32>
      %lt3A_345 = arith.cmpi slt, %broadcast_in_dim3A_287, %select_n3A_342 : vector<16xi32>
      %and3A_346 = arith.andi %eq3A_344, %lt3A_345 : vector<16xi1>
      %or3A_347 = arith.ori %gt3A_343, %and3A_346 : vector<16xi1>
      %select_n3A_348 = arith.select %or3A_347, %select_n3A_327, %select_n3A_341 : vector<16xi1>, vector<16xf32>
      %select_n3A_349 = arith.select %or3A_347, %broadcast_in_dim3A_287, %select_n3A_342 : vector<16xi1>, vector<16xi32>
      %gt3A_350 = arith.cmpf ogt, %select_n3A_331, %select_n3A_348 : vector<16xf32>
      %eq3A_351 = arith.cmpf oeq, %select_n3A_331, %select_n3A_348 : vector<16xf32>
      %lt3A_352 = arith.cmpi slt, %broadcast_in_dim3A_289, %select_n3A_349 : vector<16xi32>
      %and3A_353 = arith.andi %eq3A_351, %lt3A_352 : vector<16xi1>
      %or3A_354 = arith.ori %gt3A_350, %and3A_353 : vector<16xi1>
      %select_n3A_355 = arith.select %or3A_354, %select_n3A_331, %select_n3A_348 : vector<16xi1>, vector<16xf32>
      %select_n3A_356 = arith.select %or3A_354, %broadcast_in_dim3A_289, %select_n3A_349 : vector<16xi1>, vector<16xi32>
      %gt3A_357 = arith.cmpf ogt, %select_n3A_335, %select_n3A_355 : vector<16xf32>
      %eq3A_358 = arith.cmpf oeq, %select_n3A_335, %select_n3A_355 : vector<16xf32>
      %lt3A_359 = arith.cmpi slt, %broadcast_in_dim3A_291, %select_n3A_356 : vector<16xi32>
      %and3A_360 = arith.andi %eq3A_358, %lt3A_359 : vector<16xi1>
      %or3A_361 = arith.ori %gt3A_357, %and3A_360 : vector<16xi1>
      %select_n3A_362 = arith.select %or3A_361, %select_n3A_335, %select_n3A_355 : vector<16xi1>, vector<16xf32>
      %select_n3A_363 = arith.select %or3A_361, %broadcast_in_dim3A_291, %select_n3A_356 : vector<16xi1>, vector<16xi32>
      %mul3A_364 = arith.mulf %select_n3A_318, %select_n3A_184 : vector<16xf32>
      %mul3A_365 = arith.mulf %select_n3A_362, %select_n3A_184 : vector<16xf32>
      %mul3A_366 = arith.constant 4 : i32
      %mul3A_367 = vector.broadcast %mul3A_366 : i32 to vector<16xi32>
      %mul3A_368 = arith.muli %select_n3A_185, %mul3A_367 : vector<16xi32>
      %add3A_369 = arith.addi %mul3A_368, %select_n3A_319 : vector<16xi32>
      %mul3A_370 = arith.constant 4 : i32
      %mul3A_371 = vector.broadcast %mul3A_370 : i32 to vector<16xi32>
      %mul3A_372 = arith.muli %select_n3A_185, %mul3A_371 : vector<16xi32>
      %add3A_373 = arith.addi %mul3A_372, %select_n3A_363 : vector<16xi32>
      %mul3A_374 = arith.constant 4 : i32
      %mul3A_375 = vector.broadcast %mul3A_374 : i32 to vector<16xi32>
      %mul3A_376 = arith.muli %select_n3A_228, %mul3A_375 : vector<16xi32>
      %add3A_377 = arith.constant 4 : i32
      %add3A_378 = vector.broadcast %add3A_377 : i32 to vector<16xi32>
      %add3A_379 = arith.addi %add3A_378, %mul3A_376 : vector<16xi32>
      %add3A_380 = arith.constant 0 : i32
      %add3A_381 = vector.broadcast %add3A_380 : i32 to vector<16xi32>
      %add3A_382 = arith.addi %add3A_379, %add3A_381 : vector<16xi32>
      %gather3A_383 = tpu.vector_load_idx %arg4[%add3A_17, %add3A_382] : memref<256x24xf32, #tpu.memory_space<vmem>>[vector<16xi32>, vector<16xi32>], vector<16xf32>,
      %add3A_384 = arith.constant 1 : i32
      %add3A_385 = vector.broadcast %add3A_384 : i32 to vector<16xi32>
      %add3A_386 = arith.addi %add3A_379, %add3A_385 : vector<16xi32>
      %gather3A_387 = tpu.vector_load_idx %arg4[%add3A_17, %add3A_386] : memref<256x24xf32, #tpu.memory_space<vmem>>[vector<16xi32>, vector<16xi32>], vector<16xf32>,
      %add3A_388 = arith.constant 2 : i32
      %add3A_389 = vector.broadcast %add3A_388 : i32 to vector<16xi32>
      %add3A_390 = arith.addi %add3A_379, %add3A_389 : vector<16xi32>
      %gather3A_391 = tpu.vector_load_idx %arg4[%add3A_17, %add3A_390] : memref<256x24xf32, #tpu.memory_space<vmem>>[vector<16xi32>, vector<16xi32>], vector<16xf32>,
      %add3A_392 = arith.constant 3 : i32
      %add3A_393 = vector.broadcast %add3A_392 : i32 to vector<16xi32>
      %add3A_394 = arith.addi %add3A_379, %add3A_393 : vector<16xi32>
      %gather3A_395 = tpu.vector_load_idx %arg4[%add3A_17, %add3A_394] : memref<256x24xf32, #tpu.memory_space<vmem>>[vector<16xi32>, vector<16xi32>], vector<16xf32>,
      %max3A_396 = arith.maximumf %gather3A_383, %gather3A_387 : vector<16xf32>
      %max3A_397 = arith.maximumf %gather3A_391, %gather3A_395 : vector<16xf32>
      %max3A_398 = arith.maximumf %max3A_396, %max3A_397 : vector<16xf32>
      %sub3A_399 = arith.subf %gather3A_383, %max3A_398 : vector<16xf32>
      %exp3A_400 = math.exp %sub3A_399 : vector<16xf32>
      %sub3A_401 = arith.subf %gather3A_387, %max3A_398 : vector<16xf32>
      %exp3A_402 = math.exp %sub3A_401 : vector<16xf32>
      %sub3A_403 = arith.subf %gather3A_391, %max3A_398 : vector<16xf32>
      %exp3A_404 = math.exp %sub3A_403 : vector<16xf32>
      %sub3A_405 = arith.subf %gather3A_395, %max3A_398 : vector<16xf32>
      %exp3A_406 = math.exp %sub3A_405 : vector<16xf32>
      %add3A_407 = arith.addf %exp3A_400, %exp3A_402 : vector<16xf32>
      %add3A_408 = arith.addf %add3A_407, %exp3A_404 : vector<16xf32>
      %add3A_409 = arith.addf %add3A_408, %exp3A_406 : vector<16xf32>
      %div3A_410 = arith.divf %exp3A_400, %add3A_409 : vector<16xf32>
      %mul3A_411 = arith.mulf %div3A_410, %gather3A_231 : vector<16xf32>
      %add3A_412 = arith.addf %mul3A_411, %mul3A_235 : vector<16xf32>
      %div3A_413 = arith.divf %exp3A_402, %add3A_409 : vector<16xf32>
      %mul3A_414 = arith.mulf %div3A_413, %gather3A_231 : vector<16xf32>
      %add3A_415 = arith.addf %mul3A_414, %mul3A_235 : vector<16xf32>
      %div3A_416 = arith.divf %exp3A_404, %add3A_409 : vector<16xf32>
      %mul3A_417 = arith.mulf %div3A_416, %gather3A_231 : vector<16xf32>
      %add3A_418 = arith.addf %mul3A_417, %mul3A_235 : vector<16xf32>
      %div3A_419 = arith.divf %exp3A_406, %add3A_409 : vector<16xf32>
      %mul3A_420 = arith.mulf %div3A_419, %gather3A_231 : vector<16xf32>
      %add3A_421 = arith.addf %mul3A_420, %mul3A_235 : vector<16xf32>
      %broadcast_in_dim3A_422 = arith.constant 0 : i32
      %broadcast_in_dim3A_423 = vector.broadcast %broadcast_in_dim3A_422 : i32 to vector<16xi32>
      %broadcast_in_dim3A_424 = arith.constant 1 : i32
      %broadcast_in_dim3A_425 = vector.broadcast %broadcast_in_dim3A_424 : i32 to vector<16xi32>
      %broadcast_in_dim3A_426 = arith.constant 2 : i32
      %broadcast_in_dim3A_427 = vector.broadcast %broadcast_in_dim3A_426 : i32 to vector<16xi32>
      %broadcast_in_dim3A_428 = arith.constant 3 : i32
      %broadcast_in_dim3A_429 = vector.broadcast %broadcast_in_dim3A_428 : i32 to vector<16xi32>
      %gt3A_430 = arith.cmpf ogt, %add3A_412, %broadcast_in_dim3A_7 : vector<16xf32>
      %eq3A_431 = arith.cmpf oeq, %add3A_412, %broadcast_in_dim3A_7 : vector<16xf32>
      %lt3A_432 = arith.cmpi slt, %broadcast_in_dim3A_423, %broadcast_in_dim3A_163 : vector<16xi32>
      %and3A_433 = arith.andi %eq3A_431, %lt3A_432 : vector<16xi1>
      %or3A_434 = arith.ori %gt3A_430, %and3A_433 : vector<16xi1>
      %select_n3A_435 = arith.select %or3A_434, %add3A_412, %broadcast_in_dim3A_7 : vector<16xi1>, vector<16xf32>
      %select_n3A_436 = arith.select %or3A_434, %broadcast_in_dim3A_423, %broadcast_in_dim3A_163 : vector<16xi1>, vector<16xi32>
      %gt3A_437 = arith.cmpf ogt, %add3A_415, %select_n3A_435 : vector<16xf32>
      %eq3A_438 = arith.cmpf oeq, %add3A_415, %select_n3A_435 : vector<16xf32>
      %lt3A_439 = arith.cmpi slt, %broadcast_in_dim3A_425, %select_n3A_436 : vector<16xi32>
      %and3A_440 = arith.andi %eq3A_438, %lt3A_439 : vector<16xi1>
      %or3A_441 = arith.ori %gt3A_437, %and3A_440 : vector<16xi1>
      %select_n3A_442 = arith.select %or3A_441, %add3A_415, %select_n3A_435 : vector<16xi1>, vector<16xf32>
      %select_n3A_443 = arith.select %or3A_441, %broadcast_in_dim3A_425, %select_n3A_436 : vector<16xi1>, vector<16xi32>
      %gt3A_444 = arith.cmpf ogt, %add3A_418, %select_n3A_442 : vector<16xf32>
      %eq3A_445 = arith.cmpf oeq, %add3A_418, %select_n3A_442 : vector<16xf32>
      %lt3A_446 = arith.cmpi slt, %broadcast_in_dim3A_427, %select_n3A_443 : vector<16xi32>
      %and3A_447 = arith.andi %eq3A_445, %lt3A_446 : vector<16xi1>
      %or3A_448 = arith.ori %gt3A_444, %and3A_447 : vector<16xi1>
      %select_n3A_449 = arith.select %or3A_448, %add3A_418, %select_n3A_442 : vector<16xi1>, vector<16xf32>
      %select_n3A_450 = arith.select %or3A_448, %broadcast_in_dim3A_427, %select_n3A_443 : vector<16xi1>, vector<16xi32>
      %gt3A_451 = arith.cmpf ogt, %add3A_421, %select_n3A_449 : vector<16xf32>
      %eq3A_452 = arith.cmpf oeq, %add3A_421, %select_n3A_449 : vector<16xf32>
      %lt3A_453 = arith.cmpi slt, %broadcast_in_dim3A_429, %select_n3A_450 : vector<16xi32>
      %and3A_454 = arith.andi %eq3A_452, %lt3A_453 : vector<16xi1>
      %or3A_455 = arith.ori %gt3A_451, %and3A_454 : vector<16xi1>
      %select_n3A_456 = arith.select %or3A_455, %add3A_421, %select_n3A_449 : vector<16xi1>, vector<16xf32>
      %select_n3A_457 = arith.select %or3A_455, %broadcast_in_dim3A_429, %select_n3A_450 : vector<16xi1>, vector<16xi32>
      %eq3A_458 = arith.cmpi eq, %broadcast_in_dim3A_423, %select_n3A_457 : vector<16xi32>
      %jit3A_459 = arith.constant -1.000000e+00 : f32
      %broadcast_in_dim3A_460 = vector.broadcast %jit3A_459 : f32 to vector<16xf32>
      %select_n3A_461 = arith.select %eq3A_458, %broadcast_in_dim3A_460, %add3A_412 : vector<16xi1>, vector<16xf32>
      %eq3A_462 = arith.cmpi eq, %broadcast_in_dim3A_425, %select_n3A_457 : vector<16xi32>
      %jit3A_463 = arith.constant -1.000000e+00 : f32
      %broadcast_in_dim3A_464 = vector.broadcast %jit3A_463 : f32 to vector<16xf32>
      %select_n3A_465 = arith.select %eq3A_462, %broadcast_in_dim3A_464, %add3A_415 : vector<16xi1>, vector<16xf32>
      %eq3A_466 = arith.cmpi eq, %broadcast_in_dim3A_427, %select_n3A_457 : vector<16xi32>
      %jit3A_467 = arith.constant -1.000000e+00 : f32
      %broadcast_in_dim3A_468 = vector.broadcast %jit3A_467 : f32 to vector<16xf32>
      %select_n3A_469 = arith.select %eq3A_466, %broadcast_in_dim3A_468, %add3A_418 : vector<16xi1>, vector<16xf32>
      %eq3A_470 = arith.cmpi eq, %broadcast_in_dim3A_429, %select_n3A_457 : vector<16xi32>
      %jit3A_471 = arith.constant -1.000000e+00 : f32
      %broadcast_in_dim3A_472 = vector.broadcast %jit3A_471 : f32 to vector<16xf32>
      %select_n3A_473 = arith.select %eq3A_470, %broadcast_in_dim3A_472, %add3A_421 : vector<16xi1>, vector<16xf32>
      %gt3A_474 = arith.cmpf ogt, %select_n3A_461, %broadcast_in_dim3A_7 : vector<16xf32>
      %eq3A_475 = arith.cmpf oeq, %select_n3A_461, %broadcast_in_dim3A_7 : vector<16xf32>
      %lt3A_476 = arith.cmpi slt, %broadcast_in_dim3A_423, %broadcast_in_dim3A_163 : vector<16xi32>
      %and3A_477 = arith.andi %eq3A_475, %lt3A_476 : vector<16xi1>
      %or3A_478 = arith.ori %gt3A_474, %and3A_477 : vector<16xi1>
      %select_n3A_479 = arith.select %or3A_478, %select_n3A_461, %broadcast_in_dim3A_7 : vector<16xi1>, vector<16xf32>
      %select_n3A_480 = arith.select %or3A_478, %broadcast_in_dim3A_423, %broadcast_in_dim3A_163 : vector<16xi1>, vector<16xi32>
      %gt3A_481 = arith.cmpf ogt, %select_n3A_465, %select_n3A_479 : vector<16xf32>
      %eq3A_482 = arith.cmpf oeq, %select_n3A_465, %select_n3A_479 : vector<16xf32>
      %lt3A_483 = arith.cmpi slt, %broadcast_in_dim3A_425, %select_n3A_480 : vector<16xi32>
      %and3A_484 = arith.andi %eq3A_482, %lt3A_483 : vector<16xi1>
      %or3A_485 = arith.ori %gt3A_481, %and3A_484 : vector<16xi1>
      %select_n3A_486 = arith.select %or3A_485, %select_n3A_465, %select_n3A_479 : vector<16xi1>, vector<16xf32>
      %select_n3A_487 = arith.select %or3A_485, %broadcast_in_dim3A_425, %select_n3A_480 : vector<16xi1>, vector<16xi32>
      %gt3A_488 = arith.cmpf ogt, %select_n3A_469, %select_n3A_486 : vector<16xf32>
      %eq3A_489 = arith.cmpf oeq, %select_n3A_469, %select_n3A_486 : vector<16xf32>
      %lt3A_490 = arith.cmpi slt, %broadcast_in_dim3A_427, %select_n3A_487 : vector<16xi32>
      %and3A_491 = arith.andi %eq3A_489, %lt3A_490 : vector<16xi1>
      %or3A_492 = arith.ori %gt3A_488, %and3A_491 : vector<16xi1>
      %select_n3A_493 = arith.select %or3A_492, %select_n3A_469, %select_n3A_486 : vector<16xi1>, vector<16xf32>
      %select_n3A_494 = arith.select %or3A_492, %broadcast_in_dim3A_427, %select_n3A_487 : vector<16xi1>, vector<16xi32>
      %gt3A_495 = arith.cmpf ogt, %select_n3A_473, %select_n3A_493 : vector<16xf32>
      %eq3A_496 = arith.cmpf oeq, %select_n3A_473, %select_n3A_493 : vector<16xf32>
      %lt3A_497 = arith.cmpi slt, %broadcast_in_dim3A_429, %select_n3A_494 : vector<16xi32>
      %and3A_498 = arith.andi %eq3A_496, %lt3A_497 : vector<16xi1>
      %or3A_499 = arith.ori %gt3A_495, %and3A_498 : vector<16xi1>
      %select_n3A_500 = arith.select %or3A_499, %select_n3A_473, %select_n3A_493 : vector<16xi1>, vector<16xf32>
      %select_n3A_501 = arith.select %or3A_499, %broadcast_in_dim3A_429, %select_n3A_494 : vector<16xi1>, vector<16xi32>
      %mul3A_502 = arith.mulf %select_n3A_456, %select_n3A_227 : vector<16xf32>
      %mul3A_503 = arith.mulf %select_n3A_500, %select_n3A_227 : vector<16xf32>
      %mul3A_504 = arith.constant 4 : i32
      %mul3A_505 = vector.broadcast %mul3A_504 : i32 to vector<16xi32>
      %mul3A_506 = arith.muli %select_n3A_228, %mul3A_505 : vector<16xi32>
      %add3A_507 = arith.addi %mul3A_506, %select_n3A_457 : vector<16xi32>
      %mul3A_508 = arith.constant 4 : i32
      %mul3A_509 = vector.broadcast %mul3A_508 : i32 to vector<16xi32>
      %mul3A_510 = arith.muli %select_n3A_228, %mul3A_509 : vector<16xi32>
      %add3A_511 = arith.addi %mul3A_510, %select_n3A_501 : vector<16xi32>
      %add3A_512 = arith.addf %mul3A_364, %mul3A_365 : vector<16xf32>
      %add3A_513 = arith.addf %add3A_512, %mul3A_502 : vector<16xf32>
      %add3A_514 = arith.addf %add3A_513, %mul3A_503 : vector<16xf32>
      %add3A_515 = arith.constant 9.99999971E-10 : f32
      %add3A_516 = vector.broadcast %add3A_515 : f32 to vector<16xf32>
      %add3A_517 = arith.addf %add3A_514, %add3A_516 : vector<16xf32>
      %div3A_518 = arith.divf %mul3A_364, %add3A_517 : vector<16xf32>
      %div3A_519 = arith.divf %mul3A_365, %add3A_517 : vector<16xf32>
      %div3A_520 = arith.divf %mul3A_502, %add3A_517 : vector<16xf32>
      %div3A_521 = arith.divf %mul3A_503, %add3A_517 : vector<16xf32>
      %gt3A_522 = arith.cmpf ogt, %div3A_518, %broadcast_in_dim3A_7 : vector<16xf32>
      %eq3A_523 = arith.cmpf oeq, %div3A_518, %broadcast_in_dim3A_7 : vector<16xf32>
      %lt3A_524 = arith.cmpi slt, %add3A_369, %broadcast_in_dim3A_163 : vector<16xi32>
      %and3A_525 = arith.andi %eq3A_523, %lt3A_524 : vector<16xi1>
      %or3A_526 = arith.ori %gt3A_522, %and3A_525 : vector<16xi1>
      %select_n3A_527 = arith.select %or3A_526, %div3A_518, %broadcast_in_dim3A_7 : vector<16xi1>, vector<16xf32>
      %select_n3A_528 = arith.select %or3A_526, %add3A_369, %broadcast_in_dim3A_163 : vector<16xi1>, vector<16xi32>
      %gt3A_529 = arith.cmpf ogt, %div3A_519, %select_n3A_527 : vector<16xf32>
      %eq3A_530 = arith.cmpf oeq, %div3A_519, %select_n3A_527 : vector<16xf32>
      %lt3A_531 = arith.cmpi slt, %add3A_373, %select_n3A_528 : vector<16xi32>
      %and3A_532 = arith.andi %eq3A_530, %lt3A_531 : vector<16xi1>
      %or3A_533 = arith.ori %gt3A_529, %and3A_532 : vector<16xi1>
      %select_n3A_534 = arith.select %or3A_533, %div3A_519, %select_n3A_527 : vector<16xi1>, vector<16xf32>
      %select_n3A_535 = arith.select %or3A_533, %add3A_373, %select_n3A_528 : vector<16xi1>, vector<16xi32>
      %gt3A_536 = arith.cmpf ogt, %div3A_520, %select_n3A_534 : vector<16xf32>
      %eq3A_537 = arith.cmpf oeq, %div3A_520, %select_n3A_534 : vector<16xf32>
      %lt3A_538 = arith.cmpi slt, %add3A_507, %select_n3A_535 : vector<16xi32>
      %and3A_539 = arith.andi %eq3A_537, %lt3A_538 : vector<16xi1>
      %or3A_540 = arith.ori %gt3A_536, %and3A_539 : vector<16xi1>
      %select_n3A_541 = arith.select %or3A_540, %div3A_520, %select_n3A_534 : vector<16xi1>, vector<16xf32>
      %select_n3A_542 = arith.select %or3A_540, %add3A_507, %select_n3A_535 : vector<16xi1>, vector<16xi32>
      %gt3A_543 = arith.cmpf ogt, %div3A_521, %select_n3A_541 : vector<16xf32>
      %eq3A_544 = arith.cmpf oeq, %div3A_521, %select_n3A_541 : vector<16xf32>
      %lt3A_545 = arith.cmpi slt, %add3A_511, %select_n3A_542 : vector<16xi32>
      %and3A_546 = arith.andi %eq3A_544, %lt3A_545 : vector<16xi1>
      %or3A_547 = arith.ori %gt3A_543, %and3A_546 : vector<16xi1>
      %select_n3A_548 = arith.select %or3A_547, %div3A_521, %select_n3A_541 : vector<16xi1>, vector<16xf32>
      %select_n3A_549 = arith.select %or3A_547, %add3A_511, %select_n3A_542 : vector<16xi1>, vector<16xi32>
      %eq3A_550 = arith.cmpi eq, %add3A_369, %select_n3A_549 : vector<16xi32>
      %jit3A_551 = arith.constant -1.000000e+00 : f32
      %broadcast_in_dim3A_552 = vector.broadcast %jit3A_551 : f32 to vector<16xf32>
      %select_n3A_553 = arith.select %eq3A_550, %broadcast_in_dim3A_552, %div3A_518 : vector<16xi1>, vector<16xf32>
      %eq3A_554 = arith.cmpi eq, %add3A_373, %select_n3A_549 : vector<16xi32>
      %jit3A_555 = arith.constant -1.000000e+00 : f32
      %broadcast_in_dim3A_556 = vector.broadcast %jit3A_555 : f32 to vector<16xf32>
      %select_n3A_557 = arith.select %eq3A_554, %broadcast_in_dim3A_556, %div3A_519 : vector<16xi1>, vector<16xf32>
      %eq3A_558 = arith.cmpi eq, %add3A_507, %select_n3A_549 : vector<16xi32>
      %jit3A_559 = arith.constant -1.000000e+00 : f32
      %broadcast_in_dim3A_560 = vector.broadcast %jit3A_559 : f32 to vector<16xf32>
      %select_n3A_561 = arith.select %eq3A_558, %broadcast_in_dim3A_560, %div3A_520 : vector<16xi1>, vector<16xf32>
      %eq3A_562 = arith.cmpi eq, %add3A_511, %select_n3A_549 : vector<16xi32>
      %jit3A_563 = arith.constant -1.000000e+00 : f32
      %broadcast_in_dim3A_564 = vector.broadcast %jit3A_563 : f32 to vector<16xf32>
      %select_n3A_565 = arith.select %eq3A_562, %broadcast_in_dim3A_564, %div3A_521 : vector<16xi1>, vector<16xf32>
      %gt3A_566 = arith.cmpf ogt, %select_n3A_553, %broadcast_in_dim3A_7 : vector<16xf32>
      %eq3A_567 = arith.cmpf oeq, %select_n3A_553, %broadcast_in_dim3A_7 : vector<16xf32>
      %lt3A_568 = arith.cmpi slt, %add3A_369, %broadcast_in_dim3A_163 : vector<16xi32>
      %and3A_569 = arith.andi %eq3A_567, %lt3A_568 : vector<16xi1>
      %or3A_570 = arith.ori %gt3A_566, %and3A_569 : vector<16xi1>
      %select_n3A_571 = arith.select %or3A_570, %select_n3A_553, %broadcast_in_dim3A_7 : vector<16xi1>, vector<16xf32>
      %select_n3A_572 = arith.select %or3A_570, %add3A_369, %broadcast_in_dim3A_163 : vector<16xi1>, vector<16xi32>
      %gt3A_573 = arith.cmpf ogt, %select_n3A_557, %select_n3A_571 : vector<16xf32>
      %eq3A_574 = arith.cmpf oeq, %select_n3A_557, %select_n3A_571 : vector<16xf32>
      %lt3A_575 = arith.cmpi slt, %add3A_373, %select_n3A_572 : vector<16xi32>
      %and3A_576 = arith.andi %eq3A_574, %lt3A_575 : vector<16xi1>
      %or3A_577 = arith.ori %gt3A_573, %and3A_576 : vector<16xi1>
      %select_n3A_578 = arith.select %or3A_577, %select_n3A_557, %select_n3A_571 : vector<16xi1>, vector<16xf32>
      %select_n3A_579 = arith.select %or3A_577, %add3A_373, %select_n3A_572 : vector<16xi1>, vector<16xi32>
      %gt3A_580 = arith.cmpf ogt, %select_n3A_561, %select_n3A_578 : vector<16xf32>
      %eq3A_581 = arith.cmpf oeq, %select_n3A_561, %select_n3A_578 : vector<16xf32>
      %lt3A_582 = arith.cmpi slt, %add3A_507, %select_n3A_579 : vector<16xi32>
      %and3A_583 = arith.andi %eq3A_581, %lt3A_582 : vector<16xi1>
      %or3A_584 = arith.ori %gt3A_580, %and3A_583 : vector<16xi1>
      %select_n3A_585 = arith.select %or3A_584, %select_n3A_561, %select_n3A_578 : vector<16xi1>, vector<16xf32>
      %select_n3A_586 = arith.select %or3A_584, %add3A_507, %select_n3A_579 : vector<16xi1>, vector<16xi32>
      %gt3A_587 = arith.cmpf ogt, %select_n3A_565, %select_n3A_585 : vector<16xf32>
      %eq3A_588 = arith.cmpf oeq, %select_n3A_565, %select_n3A_585 : vector<16xf32>
      %lt3A_589 = arith.cmpi slt, %add3A_511, %select_n3A_586 : vector<16xi32>
      %and3A_590 = arith.andi %eq3A_588, %lt3A_589 : vector<16xi1>
      %or3A_591 = arith.ori %gt3A_587, %and3A_590 : vector<16xi1>
      %select_n3A_592 = arith.select %or3A_591, %select_n3A_565, %select_n3A_585 : vector<16xi1>, vector<16xf32>
      %select_n3A_593 = arith.select %or3A_591, %add3A_511, %select_n3A_586 : vector<16xi1>, vector<16xi32>
      tpu.vector_store_idx %arg5[%add3A_17, %select_n3A_549], %select_n3A_548 : memref<256x16xf32, #tpu.memory_space<vmem>>[vector<16xi32>, vector<16xi32>], vector<16xf32>,
      tpu.vector_store_idx %arg5[%add3A_17, %select_n3A_593], %select_n3A_592 : memref<256x16xf32, #tpu.memory_space<vmem>>[vector<16xi32>, vector<16xi32>], vector<16xf32>,
    }
    %scan3A_12 = arith.constant 16 : i32
    "tpu.region"() ({
      %run_scoped3A = tpu.sem_alloc : memref<!tpu.dma_semaphore, #tpu.memory_space<semaphore_mem>>
      %dma_start3A = arith.constant 0 : i32
      %dma_start3A_13 = tpu.memref_slice %arg3[%mul3A_2, %dma_start3A] : memref<8192x16xf32, #tpu.memory_space<hbm>> -> memref<256x16xf32, #tpu.memory_space<hbm>>
      %dma_start3A_14 = arith.constant 0 : i32
      %dma_start3A_15 = tpu.memref_slice %arg3[%mul3A_2, %dma_start3A_14] : memref<8192x16xf32, #tpu.memory_space<hbm>> -> memref<256x16xf32, #tpu.memory_space<hbm>>
      tpu.enqueue_dma source(%arg5 : memref<256x16xf32, #tpu.memory_space<vmem>>) target(%dma_start3A_15 : memref<256x16xf32, #tpu.memory_space<hbm>>) target_semaphore(%run_scoped3A : memref<!tpu.dma_semaphore, #tpu.memory_space<semaphore_mem>>)
      %dma_wait3A = arith.constant 0 : i32
      %dma_wait3A_16 = tpu.memref_slice %arg3[%mul3A_2, %dma_wait3A] : memref<8192x16xf32, #tpu.memory_space<hbm>> -> memref<256x16xf32, #tpu.memory_space<hbm>>
      %dma_wait3A_17 = arith.constant 0 : i32
      %dma_wait3A_18 = tpu.memref_slice %arg3[%mul3A_2, %dma_wait3A_17] : memref<8192x16xf32, #tpu.memory_space<hbm>> -> memref<256x16xf32, #tpu.memory_space<hbm>>
      tpu.wait_dma2 semaphore(%run_scoped3A : memref<!tpu.dma_semaphore, #tpu.memory_space<semaphore_mem>>) src(%arg5 : memref<256x16xf32, #tpu.memory_space<vmem>>) dst(%dma_wait3A_18 : memref<256x16xf32, #tpu.memory_space<hbm>>)
      tpu.yield
    }) : () -> ()
    return
  }
}

module attributes {stable_mosaic.version = 14 : i64} {
  func.func @_tc_stats_body(%arg0: i32, %arg1: memref<1024x2048xf32, #tpu.memory_space<vmem>>, %arg2: memref<24x2048xbf16, #tpu.memory_space<vmem>>, %arg3: memref<1x24xf32, #tpu.memory_space<vmem>>, %arg4: memref<1x24xf32, #tpu.memory_space<vmem>>, %arg5: memref<512x2048xbf16, #tpu.memory_space<vmem>>, %arg6: memref<1x512xf32, #tpu.memory_space<vmem>>, %arg7: memref<24x512xbf16, #tpu.memory_space<vmem>>, %arg8: memref<1x24xf32, #tpu.memory_space<vmem>>, %arg9: memref<1024x24xf32, #tpu.memory_space<vmem>>) attributes {dimension_semantics = [#tpu.dimension_semantics<arbitrary>], iteration_bounds = array<i64: 8>, scalar_prefetch = 0 : i64, scratch_operands = 0 : i64, tpu.core_type = #tpu.core_type<tc>, window_params = [{transform_indices = @transform_0, window_bounds = array<i64: 1024, 2048>}, {pipeline_mode = #tpu.pipeline_mode<synchronous>, transform_indices = @transform_1, window_bounds = array<i64: 24, 2048>}, {pipeline_mode = #tpu.pipeline_mode<synchronous>, transform_indices = @transform_2, window_bounds = array<i64: 1, 24>}, {pipeline_mode = #tpu.pipeline_mode<synchronous>, transform_indices = @transform_3, window_bounds = array<i64: 1, 24>}, {pipeline_mode = #tpu.pipeline_mode<synchronous>, transform_indices = @transform_4, window_bounds = array<i64: 512, 2048>}, {pipeline_mode = #tpu.pipeline_mode<synchronous>, transform_indices = @transform_5, window_bounds = array<i64: 1, 512>}, {pipeline_mode = #tpu.pipeline_mode<synchronous>, transform_indices = @transform_6, window_bounds = array<i64: 24, 512>}, {pipeline_mode = #tpu.pipeline_mode<synchronous>, transform_indices = @transform_7, window_bounds = array<i64: 1, 24>}, {transform_indices = @transform_8, window_bounds = array<i64: 1024, 24>}]} {
    %get3A = arith.constant 0 : index
    %get3A_0 = arith.constant 0 : index
    %get3A_1 = vector.load %arg1[%get3A, %get3A_0] : memref<1024x2048xf32, #tpu.memory_space<vmem>>, vector<1024x2048xf32>
    %convert_element_type3A = arith.truncf %get3A_1 : vector<1024x2048xf32> to vector<1024x2048xbf16>
    %get3A_2 = arith.constant 0 : index
    %get3A_3 = arith.constant 0 : index
    %get3A_4 = vector.load %arg5[%get3A_2, %get3A_3] : memref<512x2048xbf16, #tpu.memory_space<vmem>>, vector<512x2048xbf16>
    %dot_general3A = arith.constant dense<0.000000e+00> : vector<1024x512xf32>
    %dot_general3A_5 = tpu.matmul %convert_element_type3A, %get3A_4, %dot_general3A {dimension_numbers = #tpu.dot_dimension_numbers<[1], [1], [0], [0], [0, 0, 1, 0], [], []>, transpose_lhs_hint = false} : vector<1024x2048xbf16>, vector<512x2048xbf16>, vector<1024x512xf32> -> vector<1024x512xf32>
    %get3A_6 = arith.constant 0 : index
    %get3A_7 = arith.constant 0 : index
    %get3A_8 = vector.load %arg6[%get3A_6, %get3A_7] : memref<1x512xf32, #tpu.memory_space<vmem>>, vector<1x512xf32>
    %add3A = vector.broadcast %get3A_8 : vector<1x512xf32> to vector<1024x512xf32>
    %add3A_9 = arith.addf %dot_general3A_5, %add3A : vector<1024x512xf32>
    %mul3A = arith.constant 5.000000e-01 : f32
    %mul3A_10 = vector.broadcast %mul3A : f32 to vector<1024x512xf32>
    %mul3A_11 = arith.mulf %mul3A_10, %add3A_9 : vector<1024x512xf32>
    %mul3A_12 = arith.constant 0.707106769 : f32
    %mul3A_13 = vector.broadcast %mul3A_12 : f32 to vector<1024x512xf32>
    %mul3A_14 = arith.mulf %add3A_9, %mul3A_13 : vector<1024x512xf32>
    %erf3A = math.erf %mul3A_14 : vector<1024x512xf32>
    %add3A_15 = arith.constant 1.000000e+00 : f32
    %add3A_16 = vector.broadcast %add3A_15 : f32 to vector<1024x512xf32>
    %add3A_17 = arith.addf %add3A_16, %erf3A : vector<1024x512xf32>
    %mul3A_18 = arith.mulf %mul3A_11, %add3A_17 : vector<1024x512xf32>
    %convert_element_type3A_19 = arith.truncf %mul3A_18 : vector<1024x512xf32> to vector<1024x512xbf16>
    %get3A_20 = arith.constant 0 : index
    %get3A_21 = arith.constant 0 : index
    %get3A_22 = vector.load %arg7[%get3A_20, %get3A_21] : memref<24x512xbf16, #tpu.memory_space<vmem>>, vector<24x512xbf16>
    %dot_general3A_23 = arith.constant dense<0.000000e+00> : vector<1024x24xf32>
    %dot_general3A_24 = tpu.matmul %convert_element_type3A_19, %get3A_22, %dot_general3A_23 {dimension_numbers = #tpu.dot_dimension_numbers<[1], [1], [0], [0], [0, 0, 1, 0], [], []>, transpose_lhs_hint = false} : vector<1024x512xbf16>, vector<24x512xbf16>, vector<1024x24xf32> -> vector<1024x24xf32>
    %get3A_25 = arith.constant 0 : index
    %get3A_26 = arith.constant 0 : index
    %get3A_27 = vector.load %arg8[%get3A_25, %get3A_26] : memref<1x24xf32, #tpu.memory_space<vmem>>, vector<1x24xf32>
    %add3A_28 = vector.broadcast %get3A_27 : vector<1x24xf32> to vector<1024x24xf32>
    %add3A_29 = arith.addf %dot_general3A_24, %add3A_28 : vector<1024x24xf32>
    %neg3A = arith.constant 0.000000e+00 : f32
    %neg3A_30 = vector.broadcast %neg3A : f32 to vector<1024x24xf32>
    %neg3A_31 = arith.subf %neg3A_30, %add3A_29 : vector<1024x24xf32>
    %exp3A = math.exp %neg3A_31 : vector<1024x24xf32>
    %add3A_32 = arith.constant 1.000000e+00 : f32
    %add3A_33 = vector.broadcast %add3A_32 : f32 to vector<1024x24xf32>
    %add3A_34 = arith.addf %add3A_33, %exp3A : vector<1024x24xf32>
    %div3A = arith.constant 1.000000e+00 : f32
    %div3A_35 = vector.broadcast %div3A : f32 to vector<1024x24xf32>
    %div3A_36 = arith.divf %div3A_35, %add3A_34 : vector<1024x24xf32>
    %get3A_37 = arith.constant 0 : index
    %get3A_38 = arith.constant 0 : index
    %get3A_39 = vector.load %arg2[%get3A_37, %get3A_38] : memref<24x2048xbf16, #tpu.memory_space<vmem>>, vector<24x2048xbf16>
    %dot_general3A_40 = arith.constant dense<0.000000e+00> : vector<1024x24xf32>
    %dot_general3A_41 = tpu.matmul %convert_element_type3A, %get3A_39, %dot_general3A_40 {dimension_numbers = #tpu.dot_dimension_numbers<[1], [1], [0], [0], [0, 0, 1, 0], [], []>, transpose_lhs_hint = false} : vector<1024x2048xbf16>, vector<24x2048xbf16>, vector<1024x24xf32> -> vector<1024x24xf32>
    %get3A_42 = arith.constant 0 : index
    %get3A_43 = arith.constant 0 : index
    %get3A_44 = vector.load %arg3[%get3A_42, %get3A_43] : memref<1x24xf32, #tpu.memory_space<vmem>>, vector<1x24xf32>
    %add3A_45 = vector.broadcast %get3A_44 : vector<1x24xf32> to vector<1024x24xf32>
    %add3A_46 = arith.addf %dot_general3A_41, %add3A_45 : vector<1024x24xf32>
    %get3A_47 = arith.constant 0 : index
    %get3A_48 = arith.constant 0 : index
    %get3A_49 = vector.load %arg4[%get3A_47, %get3A_48] : memref<1x24xf32, #tpu.memory_space<vmem>>, vector<1x24xf32>
    %mul3A_50 = vector.broadcast %get3A_49 : vector<1x24xf32> to vector<1024x24xf32>
    %mul3A_51 = arith.mulf %add3A_46, %mul3A_50 : vector<1024x24xf32>
    %iota3A = tpu.iota {dimensions = array<i32: 1>} : vector<1024x24xi32>
    %eq3A = arith.constant 20 : i32
    %eq3A_52 = vector.broadcast %eq3A : i32 to vector<1024x24xi32>
    %eq3A_53 = arith.cmpi eq, %iota3A, %eq3A_52 : vector<1024x24xi32>
    %jit3A = arith.constant 0.000000e+00 : f32
    %broadcast_in_dim3A = vector.broadcast %jit3A : f32 to vector<1024x24xf32>
    %select_n3A = arith.select %eq3A_53, %div3A_36, %broadcast_in_dim3A : vector<1024x24xi1>, vector<1024x24xf32>
    %add3A_54 = arith.addf %mul3A_51, %select_n3A : vector<1024x24xf32>
    %swap3A = arith.constant 0 : index
    %swap3A_55 = arith.constant 0 : index
    %swap3A_56 = vector.load %arg9[%swap3A, %swap3A_55] : memref<1024x24xf32, #tpu.memory_space<vmem>>, vector<1024x24xf32>
    tpu.vector_store %arg9[%swap3A, %swap3A_55], %add3A_54 {strides = array<i32>} : memref<1024x24xf32, #tpu.memory_space<vmem>>, vector<1024x24xf32>,
    return
  }
  func.func @transform_0(%arg0: i32) -> (i32, i32) {
    %c0_i32 = arith.constant 0 : i32
    %c0_i32_0 = arith.constant 0 : i32
    return %arg0, %c0_i32 : i32, i32
  }
  func.func @transform_1(%arg0: i32) -> (i32, i32) {
    %c0_i32 = arith.constant 0 : i32
    %c0_i32_0 = arith.constant 0 : i32
    %c0_i32_1 = arith.constant 0 : i32
    return %c0_i32, %c0_i32_0 : i32, i32
  }
  func.func @transform_2(%arg0: i32) -> (i32, i32) {
    %c0_i32 = arith.constant 0 : i32
    %c0_i32_0 = arith.constant 0 : i32
    %c0_i32_1 = arith.constant 0 : i32
    return %c0_i32, %c0_i32_0 : i32, i32
  }
  func.func @transform_3(%arg0: i32) -> (i32, i32) {
    %c0_i32 = arith.constant 0 : i32
    %c0_i32_0 = arith.constant 0 : i32
    %c0_i32_1 = arith.constant 0 : i32
    return %c0_i32, %c0_i32_0 : i32, i32
  }
  func.func @transform_4(%arg0: i32) -> (i32, i32) {
    %c0_i32 = arith.constant 0 : i32
    %c0_i32_0 = arith.constant 0 : i32
    %c0_i32_1 = arith.constant 0 : i32
    return %c0_i32, %c0_i32_0 : i32, i32
  }
  func.func @transform_5(%arg0: i32) -> (i32, i32) {
    %c0_i32 = arith.constant 0 : i32
    %c0_i32_0 = arith.constant 0 : i32
    %c0_i32_1 = arith.constant 0 : i32
    return %c0_i32, %c0_i32_0 : i32, i32
  }
  func.func @transform_6(%arg0: i32) -> (i32, i32) {
    %c0_i32 = arith.constant 0 : i32
    %c0_i32_0 = arith.constant 0 : i32
    %c0_i32_1 = arith.constant 0 : i32
    return %c0_i32, %c0_i32_0 : i32, i32
  }
  func.func @transform_7(%arg0: i32) -> (i32, i32) {
    %c0_i32 = arith.constant 0 : i32
    %c0_i32_0 = arith.constant 0 : i32
    %c0_i32_1 = arith.constant 0 : i32
    return %c0_i32, %c0_i32_0 : i32, i32
  }
  func.func @transform_8(%arg0: i32) -> (i32, i32) {
    %c0_i32 = arith.constant 0 : i32
    %c0_i32_0 = arith.constant 0 : i32
    return %arg0, %c0_i32 : i32, i32
  }
}

</mosaic_0001>

<sc_bundles>
// kernel: kernel.4.cloned.1.call-start
scs
__scs_entry_jumppad:
0x0: {  	(pc) =	sbr.rel $0x88, $3  }
0x1: {  	(tag) =	ssettag $0x0;
	lr =	simm.s32 $0x1  }
0x2: {  	[smem:$0x3F97] =	sst lr;
	_ =	strace $0xD0000000  }
0x3: {  	_ = 	snop  }
0x4: {  	_ = 	snop  }
0x5: {  	_ = 	snop  }
0x6: {  	_ = 	snop  }
0x7: {  	_ = 	snop  }
__scs_overlays_trampoline_lowered:
0x8: {  	[smem:$0x3FA6] =	sst s0  }
0x9: {  	[smem:$0x3FA7] =	sst s1  }
0xa: {  	[smem:$0x3FA8] =	sst s2  }
0xb: {  	[smem:$0x3FA9] =	sst s3  }
0xc: {  	[smem:$0x3FAA] =	sst s4  }
0xd: {  	[smem:$0x3FAB] =	sst s5  }
0xe: {  	[smem:$0x3FAC] =	sst s6  }
0xf: {  	[smem:$0x3FAD] =	sst s7  }
0x10: {  	[smem:$0x3FAE] =	sst s8  }
0x11: {  	[smem:$0x3FAF] =	sst s9;
	s0 =	simm.s32 @!p0 $0x0  }
0x12: {  	s1 =	sld [smem:$0x3F95];
	s0 =	simm.s32 @p0 $0x1  }
0x13: {  	[smem:$0x3FB0] =	sst s0;
	s0 =	simm.s32 @!p1 $0x0  }
0x14: {  	s2 =	sld [smem:$0x3F94];
	s0 =	simm.s32 @p1 $0x1  }
0x15: {  	[smem:$0x3FB1] =	sst s0;
	s0 =	simm.s32 @!p2 $0x0  }
0x16: {  	s3 =	sld [smem:$0x3FDB];
	s0 =	simm.s32 @p2 $0x1  }
0x17: {  	s4 =	simm.s32 $0x1BF5;
	[smem:$0x3FB3] =	sst s0  }
0x18: {  	s0 =	sld [smem:$0x3F96];
	_ =	swait.ge [sflag:s4], $0x0  }
0x19: {  	s7 =	sld [smem:$0x3F97]  }
0x1a: {  	s8 =	sadd.s32 $0xFFFFE003, lr  }
0x1b: {  	s9 =	sadd.s32 $0xFFFFFEF7, lr;
	s5 =	simm.s32 $0xFFFFFFFF;
	p2 =	slt.u32 s8, $0xFFFFF086  }
0x1c: {  	p1 =	slt.u32 s9, $0xF7A;
	s5 =	simm.s32 @!p2 $0x0  }
0x1d: {  	s5 =	simm.s32 @p1 $0x1;
	p0 =	seq.s32 s7, s2  }
0x1e: {  	s7 =	smul.u32 @!p0 $0xF7A, s2;
	p2 =	seq.s32 @!p0 s5, $0x0  }
0x1f: {  	s9 =	smul.u32 $0xF7A, s1;
	s8 =	simm.s32 @!p0 $0x1BF5;
	p2 =	por !p2, p0  }
0x20: {  	[sflag:s8] =	ssyncset.s32 @!p0 $0xFFFFF086;
	s6 =	sadd.s32 @!p0 s3, s7;
	s7 =	simm.s32 @!p0 $0x108  }
0x21: {  	s3 =	sadd.s32 s3, s9;
	s6 =	sadd.s32 @!p0 $0x88, s6;
	s7 =	simm.s32 @p2 $0x1082  }
0x22: {  	[simem:s7], [sflag:s8] =	dma.local @!p0 [hbm:s6], $0xF7A  }
0x23: {  	s9 =	sor.u32 $0xD0000000, s2;
	s6 =	simm.s32 $0x108;
	_ =	swait.ge @!p0 [sflag:s8], $0x0  }
0x24: {  	s3 =	sadd.s32 $0x88, s3;
	s6 =	simm.s32 @!p1 $0x1082;
	[sflag:s4] =	ssyncset.s32 $0xFFFFF086  }
0x25: {  	[simem:s6], [sflag:s4] =	dma.local [hbm:s3], $0xF7A  }
0x26: {  	[smem:$0x3F97] =	sst s1;
	(tag) =	ssettag s2;
	_ =	strace s9  }
0x27: {  	s1 =	sld [smem:$0x3FA7]  }
0x28: {  	s2 =	sld [smem:$0x3FA8]  }
0x29: {  	s4 =	sld [smem:$0x3FAA]  }
0x2a: {  	p0 =	seq.s32 s5, $0x0;
	s5 =	sld [smem:$0x3FAB]  }
0x2b: {  	s6 =	sld [smem:$0x3FAC]  }
0x2c: {  	s7 =	sld [smem:$0x3FAD]  }
0x2d: {  	s3 =	simm.s32 $0x108;
	s8 =	sld [smem:$0x3FAE]  }
0x2e: {  	s3 =	simm.s32 @!p0 $0x1082;
	s9 =	sld [smem:$0x3FAF]  }
0x2f: {  	lr =	sadd.s32 s0, s3;
	s0 =	sld [smem:$0x3FA6]  }
0x30: {  	s3 =	sld [smem:$0x3FA9]  }
0x31: {  	[smem:$0x3FB2] =	sst s10  }
0x32: {  	s10 =	sld [smem:$0x3FB0];
	_ =	sdelay $0x3  }
0x33: {  	p0 =	seq.s32 s10, $0x1;
	s10 =	sld [smem:$0x3FB2];
	_ =	sdelay $0x3  }
0x34: {  	[smem:$0x3FB2] =	sst s10  }
0x35: {  	s10 =	sld [smem:$0x3FB1];
	_ =	sdelay $0x3  }
0x36: {  	p1 =	seq.s32 s10, $0x1;
	s10 =	sld [smem:$0x3FB2];
	_ =	sdelay $0x3  }
0x37: {  	[smem:$0x3FB2] =	sst s10  }
0x38: {  	s10 =	sld [smem:$0x3FB3]  }
0x39: {  	_ = 	snop;
	(pc) =	sbr.ind lr, $3  }
0x3a: {  	_ = 	snop  }
0x3b: {  	_ = 	snop  }
0x3c: {  	p2 =	seq.s32 s10, $0x1;
	s10 =	sld [smem:$0x3FB2]  }
0x3d: {  	_ =	shalt  }
0x3e: {  	_ =	shalt  }
0x3f: {  	_ =	shalt  }
0x40: {  	_ =	shalt  }
0x41: {  	_ =	shalt  }
0x42: {  	_ =	shalt  }
0x43: {  	_ =	shalt  }
0x44: {  	_ =	shalt  }
0x45: {  	_ =	shalt  }
0x46: {  	_ =	shalt  }
0x47: {  	_ =	shalt  }
0x48: {  	_ =	shalt  }
0x49: {  	_ =	shalt  }
0x4a: {  	_ =	shalt  }
0x4b: {  	_ =	shalt  }
0x4c: {  	_ =	shalt  }
0x4d: {  	_ =	shalt  }
0x4e: {  	_ =	shalt  }
0x4f: {  	_ =	shalt  }
0x50: {  	_ =	shalt  }
0x51: {  	_ =	shalt  }
0x52: {  	_ =	shalt  }
0x53: {  	_ =	shalt  }
0x54: {  	_ =	shalt  }
0x55: {  	_ =	shalt  }
0x56: {  	_ =	shalt  }
0x57: {  	_ =	shalt  }
0x58: {  	_ =	shalt  }
0x59: {  	_ =	shalt  }
0x5a: {  	_ =	shalt  }
0x5b: {  	_ =	shalt  }
0x5c: {  	_ =	shalt  }
0x5d: {  	_ =	shalt  }
0x5e: {  	_ =	shalt  }
0x5f: {  	_ =	shalt  }
0x60: {  	_ =	shalt  }
0x61: {  	_ =	shalt  }
0x62: {  	_ =	shalt  }
0x63: {  	_ =	shalt  }
0x64: {  	_ =	shalt  }
0x65: {  	_ =	shalt  }
0x66: {  	_ =	shalt  }
0x67: {  	_ =	shalt  }
0x68: {  	_ =	shalt  }
0x69: {  	_ =	shalt  }
0x6a: {  	_ =	shalt  }
0x6b: {  	_ =	shalt  }
0x6c: {  	_ =	shalt  }
0x6d: {  	_ =	shalt  }
0x6e: {  	_ =	shalt  }
0x6f: {  	_ =	shalt  }
0x70: {  	_ =	shalt  }
0x71: {  	_ =	shalt  }
0x72: {  	_ =	shalt  }
0x73: {  	_ =	shalt  }
0x74: {  	_ =	shalt  }
0x75: {  	_ =	shalt  }
0x76: {  	_ =	shalt  }
0x77: {  	_ =	shalt  }
0x78: {  	_ =	shalt  }
0x79: {  	_ =	shalt  }
0x7a: {  	_ =	shalt  }
0x7b: {  	_ =	shalt  }
0x7c: {  	_ =	shalt  }
0x7d: {  	_ =	shalt  }
0x7e: {  	_ =	shalt  }
0x7f: {  	_ =	shalt  }
0x80: {  	_ =	shalt  }
0x81: {  	_ =	shalt  }
0x82: {  	_ =	shalt  }
0x83: {  	_ =	shalt  }
0x84: {  	_ =	shalt  }
0x85: {  	_ =	shalt  }
0x86: {  	_ =	shalt  }
0x87: {  	_ =	shalt  }
.Lfunc_end0:
.L_simem_size_0:
called_computation_lowered:
.L_overlay_start_0:
0x88: {  	s2 =	sld [smem:$0x3FD9]  }
0x89: {  	s3 =	sld [smem:$0x3FFE];
	_ =	sdelay $0x1  }
0x8a: {  	s1 =	srdreg.scid  }
0x8b: {  	s0 =	sand.u32 $0x1, s1  }
0x8c: {  	s16 =	sshll.u32 s0, $0xA;
	s2 =	sadd.s32 s3, s2  }
0x8d: {  	s2 =	sadd.s32 s2, s16  }
0x8e: {  	[smem:$0x3FBE] =	sst s2  }
0x8f: {  	_ = 	snop  }
0x90: {  	(tm) =	ssettm $0x1  }
0x91: {  	s17 =	sld [smem:$0x3FFB];
	_ =	sdelay $0x3  }
0x92: {  	_ =	strace s17  }
0x93: {  	s2 =	sld [smem:$0x3FFC];
	_ =	sdelay $0x3  }
0x94: {  	_ =	strace s2  }
0x95: {  	s2 =	sld [smem:$0x3FFD];
	_ =	sdelay $0x3  }
0x96: {  	_ =	strace s2  }
0x97: {  	_ =	strace $0x8FFFFFFF  }
0x98: {  	s18 =	sld [smem:$0x3FDB];
	_ =	sdelay $0x1  }
0x99: {  	s19 =	simm.s32 $_scs_section_size  }
0x9a: {  	s4 =	simm.s32 $_size__tile_overlayer_lowered;
	s5 =	simm.s32 $_tile_overlayer_lowered  }
0x9b: {  	s22 =	simm.s32 $0x1BFF;
	s21 =	sshll.u32 s5, $0x1;
	s2 =	sadd.s32 s19, s18  }
0x9c: {  	s6 =	simm.s32 $0x0;
	s20 =	sshll.u32 s4, $0x1;
	s4 =	sadd.s32 s21, s2  }
0x9d: {  	[timem:s6], [sflag:s22] =	dma.local [hbm:s4], s20  }
0x9e: {  	_ =	swait.ge [sflag:s22], s20  }
0x9f: {  	s3 =	ssub.s32 $0x0, s20;
	[sflag:s22] =	ssyncset.done $0x0  }
0xa0: {  	[sflag:s22] =	ssyncadd.s32 s3;
	_ =	sdelay $0x1  }
0xa1: {  	s23 =	simm.s32 $0x1B8B  }
0xa2: {  	_ =	swait.ge [sflag:s23], $0x1  }
0xa3: {  	[sflag:s23] =	ssyncset.done $0x0  }
0xa4: {  	s25 =	simm.s32 $0x1B8E;
	s24 =	sld [smem:$0x3FFE];
	[sflag:s23] =	ssyncadd.s32 $0xFFFFFFFF  }
0xa5: {  	s26 =	simm.s32 $execute0_lowered;
	[smem:$0x3FD2] =	sst s25  }
0xa6: {  	s4 =	sshll.u32 s26, $0x1;
	_ =	strace $0x80000046;
	[dreg:$0x1] =	wrdreg $0xFFFFFFFF  }
0xa7: {  	s28 =	simm.s32 $_size_execute0_lowered;
	s2 =	sadd.s32 s2, s4;
	[dreg:$0x0] =	wrdreg $0x0  }
0xa8: {  	s4 =	sshll.u32 s28, $0x1;
	[dreg:$0x2] =	wrdreg s2  }
0xa9: {  	[dreg:$0x3] =	wrdreg s4  }
0xaa: {  	[dreg:$0x4] =	wrdreg $0xC0  }
0xab: {  	_ =	task [dreg:s6], $0x5FFFF  }
0xac: {  	[dreg:$0x1] =	wrdreg $0xFFFFFFFF  }
0xad: {  	[dreg:$0x0] =	wrdreg $0x60  }
0xae: {  	[dreg:$0x2] =	wrdreg s24  }
0xaf: {  	[dreg:$0x3] =	wrdreg $0x9  }
0xb0: {  	_ =	task.clear_ibuf [dreg:s6], $0x4FFFF;
	_ =	strace $0x90000046  }
0xb1: {  	s29 =	simm.s32 $0x9;
	_ =	strace $0x80000048  }
0xb2: {  	_ =	swait.ge [sflag:s29], $0x1  }
0xb3: {  	[sflag:s29] =	ssyncadd.s32 $0xFFFFFFFF  }
0xb4: {  	_ =	strace $0x90000048  }
0xb5: {  	_ =	sfence  }
0xb6: {  	s30 =	sld [smem:$0x0];
	_ =	sdelay $0x2  }
0xb7: {  	s31 =	sshll.u32 s1, $0xD;
	s1 =	sshrl.u32 s1, $0x2  }
0xb8: {  	s3 =	sand.u32 $0x4000, s31;
	s1 =	sadd.s32 s1, s30  }
0xb9: {  	s0 =	sor.u32 s3, s0;
	s1 =	sshll.u32 s1, $0x11  }
0xba: {  	s0 =	sor.u32 s1, s0  }
0xbb: {  	s0 =	sadd.s32 $0x8F2B, s0  }
0xbc: {  	[sflag:s0] =	ssyncadd.remote.s32 $0x1  }
0xbd: {  	_ =	sfence.sel $0xFFFF  }
0xbe: {  	[dreg:$0x0] =	wrdreg $0xFFFFFFFF;
	(pc) =	sbr.abs _section_cstart, $3  }
0xbf: {  	[dreg:$0x1] =	wrdreg $0xFFFFFFFF  }
0xc0: {  	_ =	task.clear_ibuf [dreg:s6], $0x2FFFF;
	_ =	strace $0x9FFFFFFF  }
0xc1: {  	(tm) =	ssettm $0x7FFFFFFF  }
tec
execute0_lowered:
.L_overlay_start_1:
0x0: {  	(tag) =	ssettag $0x1  }
0x1: {  	s3 =	rddreg [dreg:$0x0]  }
0x2: {  	s0 =	rddreg [dreg:$0x1];
	s4 =	srdreg.scid  }
0x3: {  	s2 =	simm.s32 $0x0;
	s1 =	stileid.u32;
	s4 =	sand.u32 $0x1, s4  }
0x4: {  	s7 =	simm.s32 $0x8000;
	s5 =	sshll.u32 s1, $0xD;
	s6 =	sshll.u32 s4, $0xC  }
0x5: {  	s8 =	simm.s32 $0x0;
	s4 =	ssub.s32 $0x2, s4;
	s5 =	sor.u32 s6, s5  }
0x6: {  	[smem:$0x7FF] =	sst s2;
	s31 =	sshrl.u32 s4, $0x1;
	s5 =	sadd.s32 s5, s3  }
0x7: {  	v1 =	vlaneseq.u32;
	_ =	strace $0x80000047;
	s6 =	ssub.s32 s4, s31;
	s3 =	sadd.s32 $0x1600, s5  }
0x8: {  	v0 =	vimm.f32 $0.0e+00;
	v2 =	vimm.s32 $0x0;
	v1 =	vmul.u32 $0x80, v1;
	s4 =	sadd.s32 $0x21600, s5;
	s5 =	smax.u32 s6, $0x1;
	s6 =	simm.s32 $0x1  }
.LBB2_1:
0x9: {  	[tilespmem:s2], [sflag:$0x1] =	stream.linear.gather [hbm4b:s3+s2], $0x8000, $0x38;
	[tilespmem:$0x10000] =	vst v63  }
0xa: {  	_ =	swait.ge [sflag:s6], $0x8000  }
0xb: {  	[sflag:s6] =	ssyncset.done $0x0  }
0xc: {  	s9 =	simm.s32 $0x8400;
	s10 =	simm.s32 $0x0;
	[sflag:s6] =	ssyncadd.s32 $0xFFFF8000  }
.LBB2_2:
0xd: {  	[tilespmem:s9+$0xFFFFFC00] =	vst v0  }
0xe: {  	[tilespmem:s9+$0xFFFFFC80] =	vst v0  }
0xf: {  	[tilespmem:s9+$0xFFFFFD00] =	vst v0  }
0x10: {  	[tilespmem:s9+$0xFFFFFD80] =	vst v0  }
0x11: {  	[tilespmem:s9+$0xFFFFFE00] =	vst v0  }
0x12: {  	[tilespmem:s9+$0xFFFFFE80] =	vst v0  }
0x13: {  	[tilespmem:s9+$0xFFFFFF00] =	vst v0  }
0x14: {  	[tilespmem:s9+$0xFFFFFF80] =	vst v0  }
0x15: {  	[tilespmem:s9+$0x0] =	vst v0  }
0x16: {  	v3 =	vmov s10;
	[tilespmem:s9+$0x80] =	vst v0  }
0x17: {  	[tilespmem:s9+$0x100] =	vst v0;
	v3 =	vshll.u32 v3, $0x7  }
0x18: {  	[tilespmem:s9+$0x180] =	vst v0;
	v3 =	vor.u32 v1, v3  }
0x19: {  	[tilespmem:s9+$0x200] =	vst v0;
	v4 =	vor.u32 $0x1, v3  }
0x1a: {  	[tilespmem:s9+$0x280] =	vst v0;
	v5 =	vor.u32 $0x2, v3  }
0x1b: {  	[tilespmem:s9+$0x300] =	vst v0;
	v6 =	vor.u32 $0x3, v3  }
0x1c: {  	[tilespmem:s9+$0x380] =	vst v0  }
0x1d: {  	v7 =	vld.idx.msk [tilespmem:v3+s2+$0x0], $0xffff  }
0x1e: {  	v4 =	vld.idx.msk [tilespmem:v4+s2+$0x0], $0xffff  }
0x1f: {  	v5 =	vld.idx.msk [tilespmem:v5+s2+$0x0], $0xffff  }
0x20: {  	v6 =	vld.idx.msk [tilespmem:v6+s2+$0x0], $0xffff;
	_ =	sdelay $0x4  }
0x21: {  	v8 =	vmax.f32 v7, v4;
	v9 =	vmax.f32 v5, v6  }
0x22: {  	v8 =	vmax.f32 v8, v9  }
0x23: {  	v7 =	vsub.f32 v7, v8  }
0x24: {  	v4 =	vsub.f32 v4, v8  }
0x25: {  	v7 =	vmul.f32 $1.442695020e+00, v7  }
0x26: {  	v5 =	vsub.f32 v5, v8;
	v4 =	vmul.f32 $1.442695020e+00, v4  }
0x27: {  	(erf) = vpow2.f32 v7  }
0x28: {  	v20 =	vsub.f32 v6, v8;
	v19 =	vmul.f32 $1.442695020e+00, v5;
	(erf) = vpow2.f32 v4;
	_ =	sdelay $0x1  }
0x29: {  	v21 =	vmul.f32 $1.442695020e+00, v20;
	(erf) = vpow2.f32 v19;
	_ =	sdelay $0x1  }
0x2a: {  	(erf) = vpow2.f32 v21;
	_ =	sdelay $0x3  }
0x2b: {  	v22 =	vpop (erf)  }
0x2c: {  	v23 =	vpop (erf)  }
0x2d: {  	v24 =	vadd.f32 v23, v22  }
0x2e: {  	v25 =	vpop (erf)  }
0x2f: {  	v6 =	vadd.f32 v24, v25  }
0x30: {  	v26 =	vpop (erf)  }
0x31: {  	v6 =	vadd.f32 v6, v26;
	_ =	sdelay $0x1  }
0x32: {  	(erf) = vrcp.f32 v6;
	_ =	sdelay $0x8  }
0x33: {  	v6 =	vpop (erf)  }
0x34: {  	v27 =	vmul.f32 v6, v22;
	_ =	sdelay $0x1  }
0x35: {  	vm0 =	vge.f32 v27, $-1.000000000e+00  }
0x36: {  	v5 =	vmul.f32 v6, v23;
	vm0 =	vmneg vm0  }
0x37: {  	v4 =	vsel vm0, $0xBF800000, v27  }
0x38: {  	vm1 =	veq.f32 v5, v4  }
0x39: {  	vm2 =	vgt.f32 v5, v4;
	vm1 =	vmand vm0, vm1  }
0x3a: {  	v10 =	vmul.f32 v6, v25;
	vm1 =	vmor vm2, vm1  }
0x3b: {  	v4 =	vsel vm1, v5, v4;
	vm2 =	vmneg vm1  }
0x3c: {  	vm3 =	veq.f32 v10, v4;
	vm2 =	vmand vm2, vm0  }
0x3d: {  	v28 =	vsel vm0, $0x40, v2;
	vm14 =	vgt.f32 v10, v4;
	vm2 =	vmand vm2, vm3  }
0x3e: {  	v6 =	vmul.f32 v6, v26;
	v29 =	vsel vm1, $0x1, v28;
	vm15 =	vmor vm14, vm2  }
0x3f: {  	v7 =	vsel vm15, v10, v4;
	v30 =	vsel vm15, $0x2, v29  }
0x40: {  	vm7 =	vgt.f32 v6, v7;
	vm8 =	vne.f32 v6, v7;
	vm9 =	vlt.u32 v30, $0x4  }
0x41: {  	vm0 =	vmneg vm7;
	vm2 =	vmor vm8, vm9  }
0x42: {  	vm0 =	vmand vm0, vm2  }
0x43: {  	v8 =	vnsel vm0, $0x3, v30  }
0x44: {  	v4 =	vshll.u32 v8, $0x2  }
0x45: {  	vm10 =	veq.s32 v8, $0x0;
	vm11 =	veq.s32 v8, $0x1;
	v11 =	vadd.s32 $0x4, v4  }
0x46: {  	v13 =	vadd.s32 $0x5, v4;
	v14 =	vadd.s32 $0x6, v4;
	v15 =	vadd.s32 $0x7, v4  }
0x47: {  	v9 =	vsel vm10, $0xBF800000, v27;
	v5 =	vsel vm11, $0xBF800000, v5;
	v12 =	vand.u32 $0x7FFFFF80, v11  }
0x48: {  	v11 =	vand.u32 $0x7C, v11;
	v31 =	vand.u32 $0x7FFFFF80, v13;
	v13 =	vand.u32 $0x7D, v13  }
0x49: {  	v32 =	vand.u32 $0x7FFFFF80, v14;
	v14 =	vand.u32 $0x7E, v14;
	v16 =	vand.u32 $0x7FFFFF80, v15  }
0x4a: {  	v33 =	vand.u32 $0x7F, v15;
	vm2 =	vge.f32 v9, $-1.000000000e+00;
	v12 =	vadd.s32 v3, v12  }
0x4b: {  	vm2 =	vmneg vm2;
	v11 =	vor.u32 v11, v12;
	v12 =	vadd.s32 v3, v31  }
0x4c: {  	v35 =	vsel vm2, $0xBF800000, v9;
	v12 =	vor.u32 v13, v12;
	v13 =	vadd.s32 v3, v32  }
0x4d: {  	v34 =	vadd.s32 v3, v16;
	vm3 =	veq.f32 v5, v35;
	v13 =	vor.u32 v14, v13  }
0x4e: {  	vm4 =	vgt.f32 v5, v35;
	v14 =	vor.u32 v33, v34;
	vm3 =	vmand vm2, vm3  }
0x4f: {  	vm1 =	vmand vm0, vm15;
	vm3 =	vmor vm4, vm3  }
0x50: {  	v36 =	vsel vm1, $0xBF800000, v10;
	v5 =	vsel vm3, v5, v35;
	vm12 =	vmneg vm3;
	v11 =	vld.idx.msk [tilespmem:v11+s2+$0x0], $0xffff  }
0x51: {  	vm13 =	veq.f32 v36, v5;
	vm1 =	vmand vm12, vm2;
	v12 =	vld.idx.msk [tilespmem:v12+s2+$0x0], $0xffff  }
0x52: {  	v38 =	vsel vm2, $0x40, v2;
	vm14 =	vgt.f32 v36, v5;
	vm1 =	vmand vm1, vm13;
	v13 =	vld.idx.msk [tilespmem:v13+s2+$0x0], $0xffff  }
0x53: {  	v10 =	vsel vm3, $0x1, v38;
	v14 =	vld.idx.msk [tilespmem:v14+s2+$0x0], $0xffff;
	vm1 =	vmor vm14, vm1  }
0x54: {  	v37 =	vnsel vm0, $0xBF800000, v6;
	v9 =	vsel vm1, v36, v5;
	v41 =	vsel vm1, $0x2, v10  }
0x55: {  	vm6 =	veq.f32 v37, v9;
	vm7 =	vgt.u32 v41, $0x3  }
0x56: {  	vm15 =	vgt.f32 v37, v9;
	vm2 =	vmand vm6, vm7  }
0x57: {  	v5 =	vshll.u32 v41, $0x2;
	vm1 =	vmor vm15, vm2  }
0x58: {  	v39 =	vmax.f32 v11, v12;
	v40 =	vmax.f32 v13, v14;
	v5 =	vsel vm1, $0xC, v5  }
0x59: {  	v15 =	vmax.f32 v39, v40;
	v46 =	vadd.s32 $0x4, v5  }
0x5a: {  	v49 =	vadd.s32 $0x5, v5;
	v51 =	vadd.s32 $0x6, v5;
	v42 =	vsub.f32 v11, v15  }
0x5b: {  	v53 =	vadd.s32 $0x7, v5;
	v43 =	vsub.f32 v12, v15;
	v44 =	vsub.f32 v13, v15  }
0x5c: {  	v47 =	vsub.f32 v14, v15;
	v48 =	vand.u32 $0x7FFFFF80, v46;
	v10 =	vmul.f32 $1.442695020e+00, v42  }
0x5d: {  	v50 =	vand.u32 $0x7FFFFF80, v49;
	v13 =	vand.u32 $0x7D, v49;
	v11 =	vmul.f32 $1.442695020e+00, v43  }
0x5e: {  	v52 =	vand.u32 $0x7FFFFF80, v51;
	v14 =	vand.u32 $0x7E, v51;
	(erf) = vpow2.f32 v10  }
0x5f: {  	v12 =	vadd.s32 v3, v48;
	(erf) = vpow2.f32 v11;
	v11 =	vand.u32 $0x7C, v46  }
0x60: {  	v54 =	vand.u32 $0x7FFFFF80, v53;
	v11 =	vor.u32 v11, v12;
	v12 =	vadd.s32 v3, v50  }
0x61: {  	v55 =	vand.u32 $0x7F, v53;
	v12 =	vor.u32 v13, v12;
	v13 =	vadd.s32 v3, v52  }
0x62: {  	v56 =	vadd.s32 v3, v54;
	v45 =	vmul.f32 $1.442695020e+00, v44;
	v13 =	vor.u32 v14, v13  }
0x63: {  	v14 =	vor.u32 v55, v56  }
0x64: {  	v10 =	vmul.f32 $1.442695020e+00, v47;
	(erf) = vpow2.f32 v45  }
0x65: {  	v57 =	vld.idx.msk [tilespmem:v11+s2+$0x0], $0xffff  }
0x66: {  	(erf) = vpow2.f32 v10;
	v58 =	vld.idx.msk [tilespmem:v12+s2+$0x0], $0xffff  }
0x67: {  	v59 =	vld.idx.msk [tilespmem:v13+s2+$0x0], $0xffff  }
0x68: {  	v14 =	vld.idx.msk [tilespmem:v14+s2+$0x0], $0xffff;
	_ =	sdelay $0x1  }
0x69: {  	v60 =	vpop (erf)  }
0x6a: {  	v61 =	vpop (erf)  }
0x6b: {  	v62 =	vadd.f32 v61, v60  }
0x6c: {  	v17 =	vpop (erf);
	v19 =	vmax.f32 v57, v58;
	v20 =	vmax.f32 v59, v14  }
0x6d: {  	v16 =	vadd.f32 v62, v17;
	v19 =	vmax.f32 v19, v20  }
0x6e: {  	v18 =	vpop (erf);
	v10 =	vsub.f32 v57, v19  }
0x6f: {  	v16 =	vadd.f32 v16, v18;
	v11 =	vsub.f32 v58, v19  }
0x70: {  	v63 =	vor.u32 $0x14, v3;
	v10 =	vmul.f32 $1.442695020e+00, v10  }
0x71: {  	v12 =	vsub.f32 v59, v19;
	(erf) = vrcp.f32 v16;
	v11 =	vmul.f32 $1.442695020e+00, v11  }
0x72: {  	(erf) = vpow2.f32 v10  }
0x73: {  	v23 =	vsub.f32 v14, v19;
	v22 =	vmul.f32 $1.442695020e+00, v12;
	(erf) = vpow2.f32 v11;
	_ =	sdelay $0x1  }
0x74: {  	v25 =	vmul.f32 $1.442695020e+00, v23;
	(erf) = vpow2.f32 v22  }
0x75: {  	v24 =	vld.idx.msk [tilespmem:v63+s2+$0x0], $0xffff  }
0x76: {  	(erf) = vpow2.f32 v25;
	_ =	sdelay $0x2  }
0x77: {  	v26 =	vpop (erf)  }
0x78: {  	v27 =	vsub.f32 $1.000000000e+00, v24;
	v13 =	vmul.f32 v26, v60;
	v28 =	vpop (erf)  }
0x79: {  	v29 =	vpop (erf)  }
0x7a: {  	v11 =	vmul.f32 $2.500000000e-01, v27;
	v13 =	vmul.f32 v13, v24;
	v30 =	vadd.f32 v29, v28  }
0x7b: {  	v15 =	vmul.f32 v26, v61;
	v31 =	vpop (erf)  }
0x7c: {  	v13 =	vadd.f32 v13, v11;
	v19 =	vadd.f32 v30, v31  }
0x7d: {  	v15 =	vmul.f32 v15, v24;
	v21 =	vpop (erf)  }
0x7e: {  	vm8 =	vge.f32 v13, $-1.000000000e+00;
	v19 =	vadd.f32 v19, v21  }
0x7f: {  	v17 =	vmul.f32 v26, v17;
	v15 =	vadd.f32 v15, v11;
	vm2 =	vmneg vm8  }
0x80: {  	v22 =	vsel vm2, $0xBF800000, v13;
	(erf) = vrcp.f32 v19  }
0x81: {  	v17 =	vmul.f32 v17, v24;
	vm9 =	veq.f32 v15, v22  }
0x82: {  	vm10 =	vgt.f32 v15, v22;
	vm3 =	vmand vm2, vm9  }
0x83: {  	v10 =	vmul.f32 v26, v18;
	v17 =	vadd.f32 v17, v11;
	vm3 =	vmor vm10, vm3  }
0x84: {  	v32 =	vsel vm3, v15, v22;
	vm4 =	vmneg vm3  }
0x85: {  	v10 =	vmul.f32 v10, v24;
	vm5 =	veq.f32 v17, v32;
	vm4 =	vmand vm4, vm2  }
0x86: {  	v33 =	vsel vm2, $0x40, v2;
	vm11 =	vgt.f32 v17, v32;
	vm4 =	vmand vm4, vm5  }
0x87: {  	v10 =	vadd.f32 v10, v11;
	v19 =	vsel vm3, $0x1, v33;
	vm3 =	vmor vm11, vm4  }
0x88: {  	v18 =	vsel vm3, v17, v32  }
0x89: {  	v6 =	vsel vm0, v7, v6;
	v19 =	vsel vm3, $0x2, v19;
	vm12 =	vgt.f32 v10, v18;
	v34 =	vpop (erf)  }
0x8a: {  	vm13 =	vne.f32 v10, v18;
	vm14 =	vlt.u32 v19, $0x4;
	v14 =	vmul.f32 v34, v28  }
0x8b: {  	v8 =	vsel vm1, v37, v9;
	vm2 =	vmneg vm12;
	vm4 =	vmor vm13, vm14  }
0x8c: {  	vm2 =	vmand vm2, vm4;
	v35 =	vmul.f32 v34, v29;
	v14 =	vmul.f32 v14, v24  }
0x8d: {  	v19 =	vnsel vm2, $0x3, v19;
	v36 =	vmul.f32 v34, v31;
	v37 =	vmul.f32 v34, v21  }
0x8e: {  	vm7 =	vmand vm2, vm3;
	v43 =	vsel vm2, v18, v10;
	v14 =	vadd.f32 v14, v11  }
0x8f: {  	vm15 =	veq.s32 v19, $0x0;
	vm9 =	veq.s32 v19, $0x1;
	v7 =	vmul.f32 v35, v24  }
0x90: {  	v13 =	vsel vm15, $0xBF800000, v13;
	v15 =	vsel vm9, $0xBF800000, v15;
	vm11 =	vge.f32 v14, $-1.000000000e+00  }
0x91: {  	v9 =	vmul.f32 v36, v24;
	v7 =	vadd.f32 v7, v11;
	vm12 =	vmneg vm11  }
0x92: {  	v12 =	vmul.f32 v37, v24;
	vm8 =	vge.f32 v13, $-1.000000000e+00;
	v38 =	vsel vm12, $0xBF800000, v14  }
0x93: {  	vm0 =	vmneg vm8;
	v9 =	vadd.f32 v9, v11;
	vm6 =	veq.f32 v7, v38  }
0x94: {  	v13 =	vsel vm0, $0xBF800000, v13;
	vm14 =	vgt.f32 v7, v38;
	vm6 =	vmand vm12, vm6  }
0x95: {  	v11 =	vadd.f32 v12, v11;
	vm10 =	vgt.f32 v15, v13;
	vm1 =	vmor vm14, vm6  }
0x96: {  	vm13 =	veq.f32 v15, v13;
	v39 =	vsel vm1, v7, v38;
	vm6 =	vmneg vm1  }
0x97: {  	vm4 =	vmand vm0, vm13;
	vm5 =	vmand vm6, vm12;
	vm15 =	veq.f32 v9, v39  }
0x98: {  	v40 =	vsel vm12, $0x40, v2;
	vm9 =	vgt.f32 v9, v39;
	vm5 =	vmand vm5, vm15  }
0x99: {  	vm4 =	vmor vm10, vm4;
	v41 =	vsel vm1, $0x1, v40;
	vm3 =	vmor vm9, vm5  }
0x9a: {  	v13 =	vsel vm4, v15, v13;
	v15 =	vsel vm3, v9, v39;
	v12 =	vsel vm3, $0x2, v41  }
0x9b: {  	vm10 =	vgt.f32 v11, v15;
	vm11 =	vne.f32 v11, v15;
	vm12 =	vlt.u32 v12, $0x4  }
0x9c: {  	v10 =	vnsel vm2, $0xBF800000, v10;
	vm5 =	vmor vm11, vm12;
	vm1 =	vmneg vm10  }
0x9d: {  	v42 =	vsel vm7, $0xBF800000, v17;
	v47 =	vmul.f32 v43, v6;
	vm1 =	vmand vm1, vm5  }
0x9e: {  	v44 =	vsel vm0, $0x40, v2;
	vm13 =	vmneg vm4;
	v12 =	vnsel vm1, $0x3, v12  }
0x9f: {  	vm14 =	veq.f32 v42, v13;
	vm6 =	vmand vm13, vm0;
	vm9 =	veq.s32 v12, $0x0  }
0xa0: {  	vm15 =	vgt.f32 v42, v13;
	vm5 =	vmand vm6, vm14;
	v14 =	vsel vm9, $0xBF800000, v14  }
0xa1: {  	v16 =	vsel vm4, $0x1, v44;
	vm5 =	vmor vm15, vm5;
	vm10 =	vge.f32 v14, $-1.000000000e+00  }
0xa2: {  	vm3 =	vmand vm1, vm3;
	vm11 =	veq.s32 v12, $0x1;
	vm12 =	vmneg vm10  }
0xa3: {  	v13 =	vsel vm5, v42, v13;
	v7 =	vsel vm11, $0xBF800000, v7;
	v14 =	vsel vm12, $0xBF800000, v14  }
0xa4: {  	v16 =	vsel vm5, $0x2, v16;
	v9 =	vsel vm3, $0xBF800000, v9;
	vm15 =	veq.f32 v7, v14  }
0xa5: {  	vm13 =	vgt.f32 v10, v13;
	vm9 =	vgt.f32 v7, v14;
	vm6 =	vmand vm12, vm15  }
0xa6: {  	vm14 =	veq.f32 v10, v13;
	vm5 =	vgt.u32 v16, $0x3;
	vm10 =	vmor vm9, vm6  }
0xa7: {  	vm2 =	vmand vm14, vm5;
	v7 =	vsel vm10, v7, v14;
	vm11 =	vmneg vm10  }
0xa8: {  	v45 =	vsel vm12, $0x40, v2;
	vm3 =	vmand vm11, vm12;
	vm12 =	veq.f32 v9, v7  }
0xa9: {  	vm0 =	vmor vm13, vm2;
	vm13 =	vgt.f32 v9, v7;
	vm3 =	vmand vm3, vm12  }
0xaa: {  	v48 =	vnsel vm1, $0xBF800000, v11;
	v46 =	vsel vm10, $0x1, v45;
	vm14 =	vmor vm13, vm3  }
0xab: {  	v10 =	vsel vm0, v10, v13;
	v7 =	vsel vm14, v9, v7;
	v13 =	vsel vm14, $0x2, v46  }
0xac: {  	v6 =	vmul.f32 v10, v6;
	vm15 =	veq.f32 v48, v7;
	vm6 =	vgt.u32 v13, $0x3  }
0xad: {  	v49 =	vsel vm1, v15, v11;
	vm7 =	vgt.f32 v48, v7;
	vm2 =	vmand vm15, vm6  }
0xae: {  	v10 =	vmul.f32 v8, v49;
	v50 =	vadd.f32 v6, v47;
	vm2 =	vmor vm7, vm2  }
0xaf: {  	v7 =	vsel vm2, v48, v7  }
0xb0: {  	v51 =	vadd.f32 v50, v10;
	v7 =	vmul.f32 v7, v8;
	_ =	sdelay $0x1  }
0xb1: {  	v8 =	vadd.f32 v7, v51;
	_ =	sdelay $0x1  }
0xb2: {  	v8 =	vadd.f32 $9.999999710e-10, v8;
	_ =	sdelay $0x1  }
0xb3: {  	(erf) = vrcp.f32 v8;
	_ =	sdelay $0x8  }
0xb4: {  	v8 =	vpop (erf)  }
0xb5: {  	v52 =	vmul.f32 v8, v47  }
0xb6: {  	v53 =	vor.u32 v4, v19  }
0xb7: {  	vm1 =	vlt.u32 v53, $0x40;
	vm8 =	veq.f32 v52, $-1.000000000e+00  }
0xb8: {  	vm9 =	vgt.f32 v52, $-1.000000000e+00;
	vm3 =	vmand vm1, vm8  }
0xb9: {  	v54 =	vsel vm0, $0x3, v16;
	v6 =	vmul.f32 v8, v6;
	vm10 =	vmor vm9, vm3  }
0xba: {  	v4 =	vor.u32 v4, v54;
	v55 =	vnsel vm10, $0xBF800000, v52;
	v56 =	vnsel vm10, $0x40, v53  }
0xbb: {  	vm11 =	veq.f32 v6, v55;
	vm12 =	vlt.u32 v4, v56  }
0xbc: {  	vm13 =	vgt.f32 v6, v55;
	vm0 =	vmand vm11, vm12  }
0xbd: {  	v10 =	vmul.f32 v8, v10;
	vm0 =	vmor vm13, vm0  }
0xbe: {  	v12 =	vor.u32 v12, v5;
	v14 =	vsel vm0, v6, v55;
	v15 =	vsel vm0, v4, v56  }
0xbf: {  	vm14 =	veq.f32 v10, v14;
	vm15 =	vlt.u32 v12, v15  }
0xc0: {  	vm8 =	vgt.f32 v10, v14;
	vm0 =	vmand vm14, vm15  }
0xc1: {  	v13 =	vsel vm2, $0x3, v13;
	v7 =	vmul.f32 v8, v7;
	vm0 =	vmor vm8, vm0  }
0xc2: {  	v5 =	vor.u32 v5, v13;
	v57 =	vsel vm0, v10, v14;
	v58 =	vsel vm0, v12, v15  }
0xc3: {  	vm9 =	veq.f32 v7, v57;
	vm10 =	vlt.u32 v5, v58  }
0xc4: {  	vm11 =	vgt.f32 v7, v57;
	vm0 =	vmand vm9, vm10  }
0xc5: {  	vm0 =	vmor vm11, vm0  }
0xc6: {  	v13 =	vsel vm0, v5, v58  }
0xc7: {  	vm12 =	veq.s32 v53, v13  }
0xc8: {  	v9 =	vsel vm12, $0xBF800000, v52  }
0xc9: {  	vm2 =	veq.f32 v9, $-1.000000000e+00  }
0xca: {  	vm13 =	vgt.f32 v9, $-1.000000000e+00;
	vm1 =	vmand vm1, vm2  }
0xcb: {  	vm14 =	veq.s32 v4, v13;
	vm1 =	vmor vm13, vm1  }
0xcc: {  	v6 =	vsel vm14, $0xBF800000, v6;
	v9 =	vnsel vm1, $0xBF800000, v9;
	v11 =	vnsel vm1, $0x40, v53  }
0xcd: {  	vm15 =	veq.f32 v6, v9;
	vm6 =	vlt.u32 v4, v11  }
0xce: {  	vm7 =	vgt.f32 v6, v9;
	vm1 =	vmand vm15, vm6  }
0xcf: {  	vm8 =	veq.s32 v12, v13;
	vm1 =	vmor vm7, vm1  }
0xd0: {  	v10 =	vsel vm8, $0xBF800000, v10;
	v6 =	vsel vm1, v6, v9;
	v4 =	vsel vm1, v4, v11  }
0xd1: {  	vm9 =	veq.f32 v10, v6;
	vm10 =	vlt.u32 v12, v4  }
0xd2: {  	vm11 =	vgt.f32 v10, v6;
	vm1 =	vmand vm9, vm10  }
0xd3: {  	vm12 =	veq.s32 v5, v13;
	vm1 =	vmor vm11, vm1  }
0xd4: {  	v59 =	vsel vm12, $0xBF800000, v7;
	v6 =	vsel vm1, v10, v6;
	v4 =	vsel vm1, v12, v4  }
0xd5: {  	vm13 =	veq.f32 v59, v6;
	vm14 =	vlt.u32 v5, v4  }
0xd6: {  	vm15 =	vgt.f32 v59, v6;
	vm1 =	vmand vm13, vm14  }
0xd7: {  	vm1 =	vmor vm15, vm1  }
0xd8: {  	v60 =	vand.u32 $0xFFFFFF80, v13;
	v4 =	vsel vm1, v5, v4  }
0xd9: {  	v61 =	vand.u32 $0x7F, v13;
	v5 =	vadd.s32 v3, v60;
	v62 =	vand.u32 $0xFFFFFF80, v4  }
0xda: {  	v5 =	vor.u32 v61, v5;
	v4 =	vand.u32 $0x7F, v4;
	v3 =	vadd.s32 v3, v62  }
0xdb: {  	p0 =	sne.s32 s10, $0xF0;
	v3 =	vor.u32 v4, v3  }
.Ltmp0:
0xdc: {  	_ = 	snop;
	(pc) =	sbr.rel @p0 .LBB2_2-.Ltmp0, $4  }
0xdd: {  	_ = 	snop  }
0xde: {  	v63 =	vsel vm0, v7, v57  }
0xdf: {  	v6 =	vsel vm1, v59, v6;
	[tilespmem:v5+s7+$0x0] =	vst.idx.msk $0xffff, v63  }
0xe0: {  	s9 =	sadd.s32 $0x800, s9;
	s10 =	sadd.s32 $0x10, s10;
	[tilespmem:v3+s7+$0x0] =	vst.idx.msk $0xffff, v6  }
0xe1: {  	s8 =	sadd.s32 $0x1, s8  }
0xe2: {  	p0 =	sne.s32 s8, s5  }
.Ltmp1:
0xe3: {  	_ = 	snop;
	(pc) =	sbr.rel @p0 .LBB2_1-.Ltmp1, $4  }
0xe4: {  	[hbm4b:s4+s2] =	stream.linear.scatter [tilespmem:s7], [sflag:$0x1], $0x8000, $0x38;
	[tilespmem:$0x10000] =	vst v63  }
0xe5: {  	_ =	swait.ge [sflag:s6], $0x8000  }
0xe6: {  	[sflag:s6] =	ssyncset.done $0x0  }
0xe7: {  	[sflag:s6] =	ssyncadd.s32 $0xFFFF8000  }
0xe8: {  	_ =	sfence.sel $0x180000  }
0xe9: {  	[bflag:$0x0] =	sbarrier.arrive $0xFFFF  }
0xea: {  	p0 =	sne.s32 s1, $0x0;
	_ =	strace $0x90000047  }
0xeb: {  	s0 =	sadd.s32 @!p0 $0x100000, s0;
	[bflag:$0x2] =	sbarrier.arrive $0xFFFF  }
0xec: {  	[sflag:s0] =	ssyncadd.tile.s32 @!p0 $0x1;
	_ =	shalt  }
.Lfunc_end2:
_tile_overlayer_lowered:
.L_overlay_start_2:
0xed: {  	(tag) =	ssettag $0x2  }
0xee: {  	s0 =	rddreg [dreg:$0x0];
	s2 =	stileid.u32  }
0xef: {  	s1 =	rddreg [dreg:$0x1];
	p0 =	sne.s32 s2, $0x0  }
0xf0: {  	s3 =	rddreg [dreg:$0x2];
	[bflag:$0x3] =	sbarrier.arrive $0xFFFF;
	s2 =	simm.s32 @!p0 $0x1C01  }
0xf1: {  	[timem:s3], [sflag:s2] =	dma.local @!p0 [hbm:s0], s1  }
0xf2: {  	s0 =	simm.s32 @!p0 $0x1  }
0xf3: {  	_ =	swait.ge @!p0 [sflag:s0], s1  }
0xf4: {  	s1 =	ssub.s32 @!p0 $0x0, s1;
	[sflag:s0] =	ssyncset.done @!p0 $0x0  }
0xf5: {  	[sflag:s0] =	ssyncadd.s32 @!p0 s1  }
0xf6: {  	[bflag:$0x3] =	sbarrier.arrive $0xFFFF  }
0xf7: {  	_ =	shalt  }

</sc_bundles>
